<compile_context>
chip_gen: v7x
topology: tpu7x:2x2x1
jax: 0.10.2.dev20260603
libtpu: 0.0.44.dev20260713+nightly
codegen_flags: <defaults>
</compile_context>

<pallas_src>
import math

import jax
import jax.numpy as jnp
from jax import lax
from jax.experimental import pallas as pl
from jax.experimental.pallas import tpu as pltpu
from jax.experimental.pallas import tpu_sc as plsc

_N = 100000
_E = 3200000
_DT = 1e-4
_SLOPE = 4.0
_C_M_SOMA = 1.0
_G_L_SOMA = 0.05
_E_L_SOMA = -70.0
_C_M_AIS = 0.5
_G_L_AIS = 0.05
_E_L_AIS = -70.0
_V_T = -50.0
_DELTA_T = 2.0
_V_SPIKE = 20.0
_V_RESET = -60.0
_G_C = 0.1
_G_MAX = 0.01
_E_REV = 0.0
_TAU_DECAY = 0.005
_DECAY = math.exp(-_DT / _TAU_DECAY)

_NC = 1
_NS = 16
_NW = _NC * _NS
_EPW = _E // _NW
_CHUNK = 4000
_NCHUNK = _EPW // _CHUNK
_GROUPS = _CHUNK // 16
_UNROLL = 25
_NBUF = 2
_ZUNROLL = 10

_ROWS = 8
_COLS = _N // _ROWS

def _mesh():
    return plsc.VectorSubcoreMesh(
        core_axis_name="c", subcore_axis_name="s",
        num_cores=_NC, num_subcores=_NS)


def _seg_body(g_hbm, w_hbm, idx_hbm, out_hbm, acc, *bufs):
    gbs = bufs[0:_NBUF]
    wbs = bufs[_NBUF:2 * _NBUF]
    ibs = bufs[2 * _NBUF:3 * _NBUF]
    sems = bufs[3 * _NBUF:4 * _NBUF]

    wid = lax.axis_index("s") * _NC + lax.axis_index("c")
    base = wid * _EPW

    def _chunk_copies(cidx, sl):
        off = pl.multiple_of(base + cidx * _CHUNK, _CHUNK)
        s = sems[sl]
        return (
            pltpu.make_async_copy(g_hbm.at[pl.ds(off, _CHUNK)], gbs[sl], s),
            pltpu.make_async_copy(w_hbm.at[pl.ds(off, _CHUNK)], wbs[sl], s),
            pltpu.make_async_copy(idx_hbm.at[pl.ds(off, _CHUNK)], ibs[sl], s),
        )

    def _start(cidx, sl):
        for cp in _chunk_copies(cidx, sl):
            cp.start()

    def _wait(cidx, sl):
        for cp in _chunk_copies(cidx, sl):
            cp.wait()

    def _process(sl):
        def grp(j, gcarry):
            for u in range(_UNROLL):
                o = j * (16 * _UNROLL) + u * 16
                iv = ibs[sl][pl.ds(o, 16)]
                vals = gbs[sl][pl.ds(o, 16)] * wbs[sl][pl.ds(o, 16)]
                plsc.addupdate_scatter(acc, [iv], vals)
            return gcarry
        lax.fori_loop(0, _GROUPS // _UNROLL, grp, 0)

    for k in range(_NBUF - 1):
        _start(k, k)

    zeros16 = jnp.zeros((16,), jnp.float32)

    def zbody(k, carry):
        for u in range(_ZUNROLL):
            acc[pl.ds(k * (16 * _ZUNROLL) + u * 16, 16)] = zeros16
        return carry

    lax.fori_loop(0, _N // (16 * _ZUNROLL), zbody, 0)

    def outer(i, carry):
        for k in range(_NBUF):
            c = i * _NBUF + k
            nxt = c + _NBUF - 1

            @pl.when(nxt < _NCHUNK)
            def _():
                _start(nxt, (k + _NBUF - 1) % _NBUF)

            _wait(c, k)
            _process(k)
        return carry

    lax.fori_loop(0, _NCHUNK // _NBUF, outer, 0)
    for k in range(_NCHUNK % _NBUF):
        c = _NCHUNK - (_NCHUNK % _NBUF) + k
        _wait(c, k)
        _process(k)

    pltpu.sync_copy(acc, out_hbm.at[wid])


def _segment_sum(syn_g, syn_w, syn_post_idx):
    f = pl.kernel(
        _seg_body,
        out_type=jax.ShapeDtypeStruct((_NW, _N), jnp.float32),
        mesh=_mesh(),
        compiler_params=pltpu.CompilerParams(needs_layout_passes=False),
        scratch_types=(
            [pltpu.VMEM((_N,), jnp.float32)]
            + [pltpu.VMEM((_CHUNK,), jnp.float32) for _ in range(2 * _NBUF)]
            + [pltpu.VMEM((_CHUNK,), jnp.int32) for _ in range(_NBUF)]
            + [pltpu.SemaphoreType.DMA for _ in range(_NBUF)]
        ),
    )
    return f(syn_g, syn_w, syn_post_idx)


def _dense_body(p_ref, ext_ref, vs_ref, va_ref, rf_ref,
                spk_ref, vso_ref, vao_ref, acc_ref):
    i = pl.program_id(0)

    @pl.when(i == 0)
    def _():
        acc_ref[...] = p_ref[0]

    @pl.when(i > 0)
    def _():
        acc_ref[...] = acc_ref[...] + p_ref[0]

    @pl.when(i == _NW - 1)
    def _():
        s = acc_ref[...]
        vs = vs_ref[...]
        va = va_ref[...]
        i_syn = (_G_MAX * _DECAY) * (_E_REV - vs) * s
        dvs = (_G_L_SOMA * (_E_L_SOMA - vs) + _G_C * (va - vs)
               + i_syn + ext_ref[...]) / _C_M_SOMA
        vs_new = vs + _DT * dvs
        ea = jnp.clip((va - _V_T) / _DELTA_T, -30.0, 30.0)
        i_exp = (_G_L_AIS * _DELTA_T) * jnp.exp(ea)
        dva = (_G_L_AIS * (_E_L_AIS - va) + i_exp
               + _G_C * (vs_new - va)) / _C_M_AIS
        va_new = va + _DT * dva
        va_new = jnp.where(rf_ref[...] > 0.0, _V_RESET, va_new)
        hard = (va_new >= _V_SPIKE).astype(jnp.float32)
        soft = 1.0 / (1.0 + jnp.exp(-_SLOPE * (va_new - _V_SPIKE)))
        spk_ref[...] = soft + (hard - soft)
        vso_ref[...] = vs_new
        vao_ref[...] = jnp.where(hard > 0.5, _V_RESET, va_new)


def _dense_update(partials, external_current, V_soma, V_ais, refrac_until):
    p3 = partials.reshape(_NW, _ROWS, _COLS)
    ext = external_current.reshape(_ROWS, _COLS)
    vs = V_soma.reshape(_ROWS, _COLS)
    va = V_ais.reshape(_ROWS, _COLS)
    rf = refrac_until.reshape(_ROWS, _COLS)
    dense_spec = pl.BlockSpec((_ROWS, _COLS), lambda i: (0, 0))
    out = pl.pallas_call(
        _dense_body,
        grid=(_NW,),
        in_specs=[
            pl.BlockSpec((1, _ROWS, _COLS), lambda i: (i, 0, 0)),
            dense_spec, dense_spec, dense_spec, dense_spec,
        ],
        out_specs=[dense_spec, dense_spec, dense_spec],
        out_shape=[jax.ShapeDtypeStruct((_ROWS, _COLS), jnp.float32)] * 3,
        scratch_shapes=[pltpu.VMEM((_ROWS, _COLS), jnp.float32)],
    )(p3, ext, vs, va, rf)
    return tuple(o.reshape(_N) for o in out)


def kernel(external_current, V_soma, V_ais, refrac_until,
           syn_g, syn_w, syn_pre_idx, syn_post_idx):
    partials = _segment_sum(syn_g, syn_w, syn_post_idx)
    spikes, vs_new, va_out = _dense_update(
        partials, external_current, V_soma, V_ais, refrac_until)
    return (spikes, vs_new, va_out)

# --- scband reference (transcript-rebuilt; emitter-appended) ---
"""Pipeline reference for scband-torch-snnext-86440511799558 (READ-ONLY COPY).

The authoritative reference and input builder live on the scoring server;
editing this copy changes nothing except your own understanding.
"""

import jax, jax.numpy as jnp
import numpy as np

N = 100000
E = 3200000
DT = 1e-4
SLOPE = 4.0
C_M_SOMA = 1.0
G_L_SOMA = 0.05
E_L_SOMA = -70.0
C_M_AIS = 0.5
G_L_AIS = 0.05
E_L_AIS = -70.0
V_T = -50.0
DELTA_T = 2.0
V_SPIKE = 20.0
V_RESET = -60.0
G_C = 0.1
G_MAX = 0.01
E_REV = 0.0
TAU_DECAY = 0.005


def setup_inputs(seed: int = 0) -> dict:
    key = jax.random.key(seed)
    ks = jax.random.split(key, 8)
    external_current = jax.random.normal(ks[0], (N,), dtype=jnp.float32)
    V_soma = jnp.full((N,), E_L_SOMA, dtype=jnp.float32) + 2.0 * jax.random.normal(ks[1], (N,), dtype=jnp.float32)
    V_ais = jnp.full((N,), E_L_AIS, dtype=jnp.float32) + 2.0 * jax.random.normal(ks[2], (N,), dtype=jnp.float32)
    refrac_until = jnp.full((N,), -1e9, dtype=jnp.float32)
    syn_g = jax.random.uniform(ks[3], (E,), dtype=jnp.float32)
    syn_w = jax.random.uniform(ks[4], (E,), dtype=jnp.float32)
    syn_pre_idx = jax.random.randint(ks[5], (E,), 0, N, dtype=jnp.int32)
    syn_post_idx = jax.random.randint(ks[6], (E,), 0, N, dtype=jnp.int32)
    return {
        'external_current': external_current,
        'V_soma': V_soma,
        'V_ais': V_ais,
        'refrac_until': refrac_until,
        'syn_g': syn_g,
        'syn_w': syn_w,
        'syn_pre_idx': syn_pre_idx,
        'syn_post_idx': syn_post_idx,
    }


def reference(external_current, V_soma, V_ais, refrac_until, syn_g, syn_w, syn_pre_idx, syn_post_idx):
    # One Euler integration step of the two-compartment (soma + AIS) exponential
    # integrate-and-fire network with conductance-based synapses.
    t = 0.0
    # synaptic conductance decay
    g_dec = syn_g * jnp.exp(-DT / TAU_DECAY)
    # per-synapse current: gather post-neuron soma voltage
    v_post = jnp.take(V_soma, syn_post_idx, axis=0)
    i_syn_per = G_MAX * g_dec * syn_w * (E_REV - v_post)
    # scatter-add synaptic currents onto post neurons
    I_syn = jax.ops.segment_sum(i_syn_per, syn_post_idx, num_segments=N)
    # soma update
    dV_soma = (G_L_SOMA * (E_L_SOMA - V_soma) + G_C * (V_ais - V_soma) + I_syn + external_current) / C_M_SOMA
    V_soma_new = V_soma + DT * dV_soma
    # AIS update with exponential spike-initiation term
    exp_arg = jnp.clip((V_ais - V_T) / DELTA_T, -30.0, 30.0)
    I_exp = G_L_AIS * DELTA_T * jnp.exp(exp_arg)
    dV_ais = (G_L_AIS * (E_L_AIS - V_ais) + I_exp + G_C * (V_soma_new - V_ais)) / C_M_AIS
    V_ais_new = V_ais + DT * dV_ais
    # refractory clamp (refrac_until initialized far in the past)
    in_refrac = t < refrac_until
    V_ais_new = jnp.where(in_refrac, V_RESET, V_ais_new)
    # spike detection with surrogate (straight-through) gradient
    hard = (V_ais_new >= V_SPIKE).astype(jnp.float32)
    soft = jax.nn.sigmoid(SLOPE * (V_ais_new - V_SPIKE))
    spikes = soft + jax.lax.stop_gradient(hard - soft)
    V_ais_out = jnp.where(hard > 0.5, V_RESET, V_ais_new)
    return (spikes, V_soma_new, V_ais_out)

if __name__ == "__main__":
    import jax
    _d = setup_inputs()
    print(jax.jit(kernel)(*tuple(_d.values())))

</pallas_src>

<mosaic_0001>
#map = affine_map<(d0, d1) -> (0)>
#map1 = affine_map<(d0, d1) -> (0, 0)>
module attributes {stable_mosaic.version = 14 : i64} {
  func.func @_seg_body(%arg0: i32, %arg1: i32, %arg2: memref<3200000xf32, #tpu.memory_space<hbm>>, %arg3: memref<3200000xf32, #tpu.memory_space<hbm>>, %arg4: memref<3200000xi32, #tpu.memory_space<hbm>>, %arg5: memref<16x100000xf32, #tpu.memory_space<hbm>>, %arg6: memref<100000xf32, #tpu.memory_space<vmem>>, %arg7: memref<4000xf32, #tpu.memory_space<vmem>>, %arg8: memref<4000xf32, #tpu.memory_space<vmem>>, %arg9: memref<4000xf32, #tpu.memory_space<vmem>>, %arg10: memref<4000xf32, #tpu.memory_space<vmem>>, %arg11: memref<4000xi32, #tpu.memory_space<vmem>>, %arg12: memref<4000xi32, #tpu.memory_space<vmem>>, %arg13: memref<!tpu.dma_semaphore, #tpu.memory_space<semaphore_mem>>, %arg14: memref<!tpu.dma_semaphore, #tpu.memory_space<semaphore_mem>>) attributes {dimension_semantics = [#tpu.dimension_semantics<core_parallel>, #tpu.dimension_semantics<subcore_parallel>], iteration_bounds = array<i64: 1, 16>, scalar_prefetch = 0 : i64, scratch_operands = 9 : i64, tpu.core_type = #tpu.core_type<sc_vector_subcore>, window_params = [{transform_indices = #map}, {transform_indices = #map}, {transform_indices = #map}, {transform_indices = #map1}]} {
    %mul3A = arith.constant 1 : i32
    %mul3A_0 = arith.muli %arg1, %mul3A : i32
    %add3A = arith.addi %mul3A_0, %arg0 : i32
    %mul3A_1 = arith.constant 200000 : i32
    %mul3A_2 = arith.muli %add3A, %mul3A_1 : i32
    %add3A_3 = arith.constant 0 : i32
    %add3A_4 = arith.addi %mul3A_2, %add3A_3 : i32
    %multiple_of3A = tpu.assume_multiple %add3A_4, 4000 : i32
    %dma_start3A = tpu.memref_slice %arg2[%multiple_of3A] : memref<3200000xf32, #tpu.memory_space<hbm>> -> memref<4000xf32, #tpu.memory_space<hbm>>
    %dma_start3A_5 = tpu.memref_slice %arg2[%multiple_of3A] : memref<3200000xf32, #tpu.memory_space<hbm>> -> memref<4000xf32, #tpu.memory_space<hbm>>
    tpu.enqueue_dma source(%dma_start3A_5 : memref<4000xf32, #tpu.memory_space<hbm>>) target(%arg7 : memref<4000xf32, #tpu.memory_space<vmem>>) target_semaphore(%arg13 : memref<!tpu.dma_semaphore, #tpu.memory_space<semaphore_mem>>)
    %dma_start3A_6 = tpu.memref_slice %arg3[%multiple_of3A] : memref<3200000xf32, #tpu.memory_space<hbm>> -> memref<4000xf32, #tpu.memory_space<hbm>>
    %dma_start3A_7 = tpu.memref_slice %arg3[%multiple_of3A] : memref<3200000xf32, #tpu.memory_space<hbm>> -> memref<4000xf32, #tpu.memory_space<hbm>>
    tpu.enqueue_dma source(%dma_start3A_7 : memref<4000xf32, #tpu.memory_space<hbm>>) target(%arg9 : memref<4000xf32, #tpu.memory_space<vmem>>) target_semaphore(%arg13 : memref<!tpu.dma_semaphore, #tpu.memory_space<semaphore_mem>>)
    %dma_start3A_8 = tpu.memref_slice %arg4[%multiple_of3A] : memref<3200000xi32, #tpu.memory_space<hbm>> -> memref<4000xi32, #tpu.memory_space<hbm>>
    %dma_start3A_9 = tpu.memref_slice %arg4[%multiple_of3A] : memref<3200000xi32, #tpu.memory_space<hbm>> -> memref<4000xi32, #tpu.memory_space<hbm>>
    tpu.enqueue_dma source(%dma_start3A_9 : memref<4000xi32, #tpu.memory_space<hbm>>) target(%arg11 : memref<4000xi32, #tpu.memory_space<vmem>>) target_semaphore(%arg13 : memref<!tpu.dma_semaphore, #tpu.memory_space<semaphore_mem>>)
    %broadcast_in_dim3A = arith.constant 0.000000e+00 : f32
    %broadcast_in_dim3A_10 = vector.broadcast %broadcast_in_dim3A : f32 to vector<16xf32>
    %scan3A = arith.constant 0 : i32
    %scan3A_11 = arith.constant 0 : i32
    %scan3A_12 = arith.constant 625 : i32
    %scan3A_13 = arith.addi %scan3A_11, %scan3A_12 : i32
    %scan3A_14 = arith.constant 1 : i32
    scf.for %scan3A_22 = %scan3A_11 to %scan3A_13 step %scan3A_14  : i32 {
      %mul3A_23 = arith.constant 160 : i32
      %mul3A_24 = arith.muli %scan3A_22, %mul3A_23 : i32
      %add3A_25 = arith.constant 0 : i32
      %add3A_26 = arith.addi %mul3A_24, %add3A_25 : i32
      %swap3A = arith.index_cast %add3A_26 : i32 to index
      %swap3A_27 = tpu.vector_load %arg6[%swap3A] {strides = array<i32>} : memref<100000xf32, #tpu.memory_space<vmem>>, vector<16xf32>,
      tpu.vector_store %arg6[%swap3A], %broadcast_in_dim3A_10 {strides = array<i32>} : memref<100000xf32, #tpu.memory_space<vmem>>, vector<16xf32>,
      %mul3A_28 = arith.constant 160 : i32
      %mul3A_29 = arith.muli %scan3A_22, %mul3A_28 : i32
      %add3A_30 = arith.constant 16 : i32
      %add3A_31 = arith.addi %mul3A_29, %add3A_30 : i32
      %swap3A_32 = arith.index_cast %add3A_31 : i32 to index
      %swap3A_33 = tpu.vector_load %arg6[%swap3A_32] {strides = array<i32>} : memref<100000xf32, #tpu.memory_space<vmem>>, vector<16xf32>,
      tpu.vector_store %arg6[%swap3A_32], %broadcast_in_dim3A_10 {strides = array<i32>} : memref<100000xf32, #tpu.memory_space<vmem>>, vector<16xf32>,
      %mul3A_34 = arith.constant 160 : i32
      %mul3A_35 = arith.muli %scan3A_22, %mul3A_34 : i32
      %add3A_36 = arith.constant 32 : i32
      %add3A_37 = arith.addi %mul3A_35, %add3A_36 : i32
      %swap3A_38 = arith.index_cast %add3A_37 : i32 to index
      %swap3A_39 = tpu.vector_load %arg6[%swap3A_38] {strides = array<i32>} : memref<100000xf32, #tpu.memory_space<vmem>>, vector<16xf32>,
      tpu.vector_store %arg6[%swap3A_38], %broadcast_in_dim3A_10 {strides = array<i32>} : memref<100000xf32, #tpu.memory_space<vmem>>, vector<16xf32>,
      %mul3A_40 = arith.constant 160 : i32
      %mul3A_41 = arith.muli %scan3A_22, %mul3A_40 : i32
      %add3A_42 = arith.constant 48 : i32
      %add3A_43 = arith.addi %mul3A_41, %add3A_42 : i32
      %swap3A_44 = arith.index_cast %add3A_43 : i32 to index
      %swap3A_45 = tpu.vector_load %arg6[%swap3A_44] {strides = array<i32>} : memref<100000xf32, #tpu.memory_space<vmem>>, vector<16xf32>,
      tpu.vector_store %arg6[%swap3A_44], %broadcast_in_dim3A_10 {strides = array<i32>} : memref<100000xf32, #tpu.memory_space<vmem>>, vector<16xf32>,
      %mul3A_46 = arith.constant 160 : i32
      %mul3A_47 = arith.muli %scan3A_22, %mul3A_46 : i32
      %add3A_48 = arith.constant 64 : i32
      %add3A_49 = arith.addi %mul3A_47, %add3A_48 : i32
      %swap3A_50 = arith.index_cast %add3A_49 : i32 to index
      %swap3A_51 = tpu.vector_load %arg6[%swap3A_50] {strides = array<i32>} : memref<100000xf32, #tpu.memory_space<vmem>>, vector<16xf32>,
      tpu.vector_store %arg6[%swap3A_50], %broadcast_in_dim3A_10 {strides = array<i32>} : memref<100000xf32, #tpu.memory_space<vmem>>, vector<16xf32>,
      %mul3A_52 = arith.constant 160 : i32
      %mul3A_53 = arith.muli %scan3A_22, %mul3A_52 : i32
      %add3A_54 = arith.constant 80 : i32
      %add3A_55 = arith.addi %mul3A_53, %add3A_54 : i32
      %swap3A_56 = arith.index_cast %add3A_55 : i32 to index
      %swap3A_57 = tpu.vector_load %arg6[%swap3A_56] {strides = array<i32>} : memref<100000xf32, #tpu.memory_space<vmem>>, vector<16xf32>,
      tpu.vector_store %arg6[%swap3A_56], %broadcast_in_dim3A_10 {strides = array<i32>} : memref<100000xf32, #tpu.memory_space<vmem>>, vector<16xf32>,
      %mul3A_58 = arith.constant 160 : i32
      %mul3A_59 = arith.muli %scan3A_22, %mul3A_58 : i32
      %add3A_60 = arith.constant 96 : i32
      %add3A_61 = arith.addi %mul3A_59, %add3A_60 : i32
      %swap3A_62 = arith.index_cast %add3A_61 : i32 to index
      %swap3A_63 = tpu.vector_load %arg6[%swap3A_62] {strides = array<i32>} : memref<100000xf32, #tpu.memory_space<vmem>>, vector<16xf32>,
      tpu.vector_store %arg6[%swap3A_62], %broadcast_in_dim3A_10 {strides = array<i32>} : memref<100000xf32, #tpu.memory_space<vmem>>, vector<16xf32>,
      %mul3A_64 = arith.constant 160 : i32
      %mul3A_65 = arith.muli %scan3A_22, %mul3A_64 : i32
      %add3A_66 = arith.constant 112 : i32
      %add3A_67 = arith.addi %mul3A_65, %add3A_66 : i32
      %swap3A_68 = arith.index_cast %add3A_67 : i32 to index
      %swap3A_69 = tpu.vector_load %arg6[%swap3A_68] {strides = array<i32>} : memref<100000xf32, #tpu.memory_space<vmem>>, vector<16xf32>,
      tpu.vector_store %arg6[%swap3A_68], %broadcast_in_dim3A_10 {strides = array<i32>} : memref<100000xf32, #tpu.memory_space<vmem>>, vector<16xf32>,
      %mul3A_70 = arith.constant 160 : i32
      %mul3A_71 = arith.muli %scan3A_22, %mul3A_70 : i32
      %add3A_72 = arith.constant 128 : i32
      %add3A_73 = arith.addi %mul3A_71, %add3A_72 : i32
      %swap3A_74 = arith.index_cast %add3A_73 : i32 to index
      %swap3A_75 = tpu.vector_load %arg6[%swap3A_74] {strides = array<i32>} : memref<100000xf32, #tpu.memory_space<vmem>>, vector<16xf32>,
      tpu.vector_store %arg6[%swap3A_74], %broadcast_in_dim3A_10 {strides = array<i32>} : memref<100000xf32, #tpu.memory_space<vmem>>, vector<16xf32>,
      %mul3A_76 = arith.constant 160 : i32
      %mul3A_77 = arith.muli %scan3A_22, %mul3A_76 : i32
      %add3A_78 = arith.constant 144 : i32
      %add3A_79 = arith.addi %mul3A_77, %add3A_78 : i32
      %swap3A_80 = arith.index_cast %add3A_79 : i32 to index
      %swap3A_81 = tpu.vector_load %arg6[%swap3A_80] {strides = array<i32>} : memref<100000xf32, #tpu.memory_space<vmem>>, vector<16xf32>,
      tpu.vector_store %arg6[%swap3A_80], %broadcast_in_dim3A_10 {strides = array<i32>} : memref<100000xf32, #tpu.memory_space<vmem>>, vector<16xf32>,
    }
    %scan3A_15 = arith.constant 625 : i32
    %scan3A_16 = arith.constant 0 : i32
    %scan3A_17 = arith.constant 0 : i32
    %scan3A_18 = arith.constant 25 : i32
    %scan3A_19 = arith.addi %scan3A_17, %scan3A_18 : i32
    %scan3A_20 = arith.constant 1 : i32
    scf.for %scan3A_22 = %scan3A_17 to %scan3A_19 step %scan3A_20  : i32 {
      %mul3A_23 = arith.constant 2 : i32
      %mul3A_24 = arith.muli %scan3A_22, %mul3A_23 : i32
      %add3A_25 = arith.constant 0 : i32
      %add3A_26 = arith.addi %mul3A_24, %add3A_25 : i32
      %add3A_27 = arith.constant 2 : i32
      %add3A_28 = arith.addi %add3A_26, %add3A_27 : i32
      %sub3A = arith.constant 1 : i32
      %sub3A_29 = arith.subi %add3A_28, %sub3A : i32
      %lt3A = arith.constant 50 : i32
      %lt3A_30 = arith.cmpi slt, %sub3A_29, %lt3A : i32
      %convert_element_type3A = arith.extui %lt3A_30 : i1 to i32
      %cond3A = arith.constant 0 : i32
      %cond3A_31 = arith.cmpi ne, %convert_element_type3A, %cond3A : i32
      scf.if %cond3A_31 {
        %mul3A_76 = arith.constant 4000 : i32
        %mul3A_77 = arith.muli %sub3A_29, %mul3A_76 : i32
        %add3A_78 = arith.addi %mul3A_2, %mul3A_77 : i32
        %multiple_of3A_79 = tpu.assume_multiple %add3A_78, 4000 : i32
        %dma_start3A_80 = tpu.memref_slice %arg2[%multiple_of3A_79] : memref<3200000xf32, #tpu.memory_space<hbm>> -> memref<4000xf32, #tpu.memory_space<hbm>>
        %dma_start3A_81 = tpu.memref_slice %arg2[%multiple_of3A_79] : memref<3200000xf32, #tpu.memory_space<hbm>> -> memref<4000xf32, #tpu.memory_space<hbm>>
        tpu.enqueue_dma source(%dma_start3A_81 : memref<4000xf32, #tpu.memory_space<hbm>>) target(%arg8 : memref<4000xf32, #tpu.memory_space<vmem>>) target_semaphore(%arg14 : memref<!tpu.dma_semaphore, #tpu.memory_space<semaphore_mem>>)
        %dma_start3A_82 = tpu.memref_slice %arg3[%multiple_of3A_79] : memref<3200000xf32, #tpu.memory_space<hbm>> -> memref<4000xf32, #tpu.memory_space<hbm>>
        %dma_start3A_83 = tpu.memref_slice %arg3[%multiple_of3A_79] : memref<3200000xf32, #tpu.memory_space<hbm>> -> memref<4000xf32, #tpu.memory_space<hbm>>
        tpu.enqueue_dma source(%dma_start3A_83 : memref<4000xf32, #tpu.memory_space<hbm>>) target(%arg10 : memref<4000xf32, #tpu.memory_space<vmem>>) target_semaphore(%arg14 : memref<!tpu.dma_semaphore, #tpu.memory_space<semaphore_mem>>)
        %dma_start3A_84 = tpu.memref_slice %arg4[%multiple_of3A_79] : memref<3200000xi32, #tpu.memory_space<hbm>> -> memref<4000xi32, #tpu.memory_space<hbm>>
        %dma_start3A_85 = tpu.memref_slice %arg4[%multiple_of3A_79] : memref<3200000xi32, #tpu.memory_space<hbm>> -> memref<4000xi32, #tpu.memory_space<hbm>>
        tpu.enqueue_dma source(%dma_start3A_85 : memref<4000xi32, #tpu.memory_space<hbm>>) target(%arg12 : memref<4000xi32, #tpu.memory_space<vmem>>) target_semaphore(%arg14 : memref<!tpu.dma_semaphore, #tpu.memory_space<semaphore_mem>>)
      } else {
      }
      %mul3A_32 = arith.constant 4000 : i32
      %mul3A_33 = arith.muli %add3A_26, %mul3A_32 : i32
      %add3A_34 = arith.addi %mul3A_2, %mul3A_33 : i32
      %multiple_of3A_35 = tpu.assume_multiple %add3A_34, 4000 : i32
      %dma_wait3A = tpu.memref_slice %arg2[%multiple_of3A_35] : memref<3200000xf32, #tpu.memory_space<hbm>> -> memref<4000xf32, #tpu.memory_space<hbm>>
      %dma_wait3A_36 = tpu.memref_slice %arg2[%multiple_of3A_35] : memref<3200000xf32, #tpu.memory_space<hbm>> -> memref<4000xf32, #tpu.memory_space<hbm>>
      tpu.wait_dma2 semaphore(%arg13 : memref<!tpu.dma_semaphore, #tpu.memory_space<semaphore_mem>>) src(%dma_wait3A_36 : memref<4000xf32, #tpu.memory_space<hbm>>) dst(%arg7 : memref<4000xf32, #tpu.memory_space<vmem>>)
      %dma_wait3A_37 = tpu.memref_slice %arg3[%multiple_of3A_35] : memref<3200000xf32, #tpu.memory_space<hbm>> -> memref<4000xf32, #tpu.memory_space<hbm>>
      %dma_wait3A_38 = tpu.memref_slice %arg3[%multiple_of3A_35] : memref<3200000xf32, #tpu.memory_space<hbm>> -> memref<4000xf32, #tpu.memory_space<hbm>>
      tpu.wait_dma2 semaphore(%arg13 : memref<!tpu.dma_semaphore, #tpu.memory_space<semaphore_mem>>) src(%dma_wait3A_38 : memref<4000xf32, #tpu.memory_space<hbm>>) dst(%arg9 : memref<4000xf32, #tpu.memory_space<vmem>>)
      %dma_wait3A_39 = tpu.memref_slice %arg4[%multiple_of3A_35] : memref<3200000xi32, #tpu.memory_space<hbm>> -> memref<4000xi32, #tpu.memory_space<hbm>>
      %dma_wait3A_40 = tpu.memref_slice %arg4[%multiple_of3A_35] : memref<3200000xi32, #tpu.memory_space<hbm>> -> memref<4000xi32, #tpu.memory_space<hbm>>
      tpu.wait_dma2 semaphore(%arg13 : memref<!tpu.dma_semaphore, #tpu.memory_space<semaphore_mem>>) src(%dma_wait3A_40 : memref<4000xi32, #tpu.memory_space<hbm>>) dst(%arg11 : memref<4000xi32, #tpu.memory_space<vmem>>)
      %scan3A_41 = arith.constant 0 : i32
      %scan3A_42 = arith.constant 0 : i32
      %scan3A_43 = arith.constant 10 : i32
      %scan3A_44 = arith.addi %scan3A_42, %scan3A_43 : i32
      %scan3A_45 = arith.constant 1 : i32
      scf.for %scan3A_76 = %scan3A_42 to %scan3A_44 step %scan3A_45  : i32 {
        %mul3A_77 = arith.constant 400 : i32
        %mul3A_78 = arith.muli %scan3A_76, %mul3A_77 : i32
        %add3A_79 = arith.constant 0 : i32
        %add3A_80 = arith.addi %mul3A_78, %add3A_79 : i32
        %get3A = arith.index_cast %add3A_80 : i32 to index
        %get3A_81 = tpu.vector_load %arg11[%get3A] {strides = array<i32>} : memref<4000xi32, #tpu.memory_space<vmem>>, vector<16xi32>,
        %get3A_82 = arith.index_cast %add3A_80 : i32 to index
        %get3A_83 = tpu.vector_load %arg7[%get3A_82] {strides = array<i32>} : memref<4000xf32, #tpu.memory_space<vmem>>, vector<16xf32>,
        %get3A_84 = arith.index_cast %add3A_80 : i32 to index
        %get3A_85 = tpu.vector_load %arg9[%get3A_84] {strides = array<i32>} : memref<4000xf32, #tpu.memory_space<vmem>>, vector<16xf32>,
        %mul3A_86 = arith.mulf %get3A_83, %get3A_85 : vector<16xf32>
        tpu.vector_store_idx %arg6[%get3A_81], %mul3A_86 {add = true} : memref<100000xf32, #tpu.memory_space<vmem>>[vector<16xi32>], vector<16xf32>,
        %mul3A_87 = arith.constant 400 : i32
        %mul3A_88 = arith.muli %scan3A_76, %mul3A_87 : i32
        %add3A_89 = arith.constant 16 : i32
        %add3A_90 = arith.addi %mul3A_88, %add3A_89 : i32
        %get3A_91 = arith.index_cast %add3A_90 : i32 to index
        %get3A_92 = tpu.vector_load %arg11[%get3A_91] {strides = array<i32>} : memref<4000xi32, #tpu.memory_space<vmem>>, vector<16xi32>,
        %get3A_93 = arith.index_cast %add3A_90 : i32 to index
        %get3A_94 = tpu.vector_load %arg7[%get3A_93] {strides = array<i32>} : memref<4000xf32, #tpu.memory_space<vmem>>, vector<16xf32>,
        %get3A_95 = arith.index_cast %add3A_90 : i32 to index
        %get3A_96 = tpu.vector_load %arg9[%get3A_95] {strides = array<i32>} : memref<4000xf32, #tpu.memory_space<vmem>>, vector<16xf32>,
        %mul3A_97 = arith.mulf %get3A_94, %get3A_96 : vector<16xf32>
        tpu.vector_store_idx %arg6[%get3A_92], %mul3A_97 {add = true} : memref<100000xf32, #tpu.memory_space<vmem>>[vector<16xi32>], vector<16xf32>,
        %mul3A_98 = arith.constant 400 : i32
        %mul3A_99 = arith.muli %scan3A_76, %mul3A_98 : i32
        %add3A_100 = arith.constant 32 : i32
        %add3A_101 = arith.addi %mul3A_99, %add3A_100 : i32
        %get3A_102 = arith.index_cast %add3A_101 : i32 to index
        %get3A_103 = tpu.vector_load %arg11[%get3A_102] {strides = array<i32>} : memref<4000xi32, #tpu.memory_space<vmem>>, vector<16xi32>,
        %get3A_104 = arith.index_cast %add3A_101 : i32 to index
        %get3A_105 = tpu.vector_load %arg7[%get3A_104] {strides = array<i32>} : memref<4000xf32, #tpu.memory_space<vmem>>, vector<16xf32>,
        %get3A_106 = arith.index_cast %add3A_101 : i32 to index
        %get3A_107 = tpu.vector_load %arg9[%get3A_106] {strides = array<i32>} : memref<4000xf32, #tpu.memory_space<vmem>>, vector<16xf32>,
        %mul3A_108 = arith.mulf %get3A_105, %get3A_107 : vector<16xf32>
        tpu.vector_store_idx %arg6[%get3A_103], %mul3A_108 {add = true} : memref<100000xf32, #tpu.memory_space<vmem>>[vector<16xi32>], vector<16xf32>,
        %mul3A_109 = arith.constant 400 : i32
        %mul3A_110 = arith.muli %scan3A_76, %mul3A_109 : i32
        %add3A_111 = arith.constant 48 : i32
        %add3A_112 = arith.addi %mul3A_110, %add3A_111 : i32
        %get3A_113 = arith.index_cast %add3A_112 : i32 to index
        %get3A_114 = tpu.vector_load %arg11[%get3A_113] {strides = array<i32>} : memref<4000xi32, #tpu.memory_space<vmem>>, vector<16xi32>,
        %get3A_115 = arith.index_cast %add3A_112 : i32 to index
        %get3A_116 = tpu.vector_load %arg7[%get3A_115] {strides = array<i32>} : memref<4000xf32, #tpu.memory_space<vmem>>, vector<16xf32>,
        %get3A_117 = arith.index_cast %add3A_112 : i32 to index
        %get3A_118 = tpu.vector_load %arg9[%get3A_117] {strides = array<i32>} : memref<4000xf32, #tpu.memory_space<vmem>>, vector<16xf32>,
        %mul3A_119 = arith.mulf %get3A_116, %get3A_118 : vector<16xf32>
        tpu.vector_store_idx %arg6[%get3A_114], %mul3A_119 {add = true} : memref<100000xf32, #tpu.memory_space<vmem>>[vector<16xi32>], vector<16xf32>,
        %mul3A_120 = arith.constant 400 : i32
        %mul3A_121 = arith.muli %scan3A_76, %mul3A_120 : i32
        %add3A_122 = arith.constant 64 : i32
        %add3A_123 = arith.addi %mul3A_121, %add3A_122 : i32
        %get3A_124 = arith.index_cast %add3A_123 : i32 to index
        %get3A_125 = tpu.vector_load %arg11[%get3A_124] {strides = array<i32>} : memref<4000xi32, #tpu.memory_space<vmem>>, vector<16xi32>,
        %get3A_126 = arith.index_cast %add3A_123 : i32 to index
        %get3A_127 = tpu.vector_load %arg7[%get3A_126] {strides = array<i32>} : memref<4000xf32, #tpu.memory_space<vmem>>, vector<16xf32>,
        %get3A_128 = arith.index_cast %add3A_123 : i32 to index
        %get3A_129 = tpu.vector_load %arg9[%get3A_128] {strides = array<i32>} : memref<4000xf32, #tpu.memory_space<vmem>>, vector<16xf32>,
        %mul3A_130 = arith.mulf %get3A_127, %get3A_129 : vector<16xf32>
        tpu.vector_store_idx %arg6[%get3A_125], %mul3A_130 {add = true} : memref<100000xf32, #tpu.memory_space<vmem>>[vector<16xi32>], vector<16xf32>,
        %mul3A_131 = arith.constant 400 : i32
        %mul3A_132 = arith.muli %scan3A_76, %mul3A_131 : i32
        %add3A_133 = arith.constant 80 : i32
        %add3A_134 = arith.addi %mul3A_132, %add3A_133 : i32
        %get3A_135 = arith.index_cast %add3A_134 : i32 to index
        %get3A_136 = tpu.vector_load %arg11[%get3A_135] {strides = array<i32>} : memref<4000xi32, #tpu.memory_space<vmem>>, vector<16xi32>,
        %get3A_137 = arith.index_cast %add3A_134 : i32 to index
        %get3A_138 = tpu.vector_load %arg7[%get3A_137] {strides = array<i32>} : memref<4000xf32, #tpu.memory_space<vmem>>, vector<16xf32>,
        %get3A_139 = arith.index_cast %add3A_134 : i32 to index
        %get3A_140 = tpu.vector_load %arg9[%get3A_139] {strides = array<i32>} : memref<4000xf32, #tpu.memory_space<vmem>>, vector<16xf32>,
        %mul3A_141 = arith.mulf %get3A_138, %get3A_140 : vector<16xf32>
        tpu.vector_store_idx %arg6[%get3A_136], %mul3A_141 {add = true} : memref<100000xf32, #tpu.memory_space<vmem>>[vector<16xi32>], vector<16xf32>,
        %mul3A_142 = arith.constant 400 : i32
        %mul3A_143 = arith.muli %scan3A_76, %mul3A_142 : i32
        %add3A_144 = arith.constant 96 : i32
        %add3A_145 = arith.addi %mul3A_143, %add3A_144 : i32
        %get3A_146 = arith.index_cast %add3A_145 : i32 to index
        %get3A_147 = tpu.vector_load %arg11[%get3A_146] {strides = array<i32>} : memref<4000xi32, #tpu.memory_space<vmem>>, vector<16xi32>,
        %get3A_148 = arith.index_cast %add3A_145 : i32 to index
        %get3A_149 = tpu.vector_load %arg7[%get3A_148] {strides = array<i32>} : memref<4000xf32, #tpu.memory_space<vmem>>, vector<16xf32>,
        %get3A_150 = arith.index_cast %add3A_145 : i32 to index
        %get3A_151 = tpu.vector_load %arg9[%get3A_150] {strides = array<i32>} : memref<4000xf32, #tpu.memory_space<vmem>>, vector<16xf32>,
        %mul3A_152 = arith.mulf %get3A_149, %get3A_151 : vector<16xf32>
        tpu.vector_store_idx %arg6[%get3A_147], %mul3A_152 {add = true} : memref<100000xf32, #tpu.memory_space<vmem>>[vector<16xi32>], vector<16xf32>,
        %mul3A_153 = arith.constant 400 : i32
        %mul3A_154 = arith.muli %scan3A_76, %mul3A_153 : i32
        %add3A_155 = arith.constant 112 : i32
        %add3A_156 = arith.addi %mul3A_154, %add3A_155 : i32
        %get3A_157 = arith.index_cast %add3A_156 : i32 to index
        %get3A_158 = tpu.vector_load %arg11[%get3A_157] {strides = array<i32>} : memref<4000xi32, #tpu.memory_space<vmem>>, vector<16xi32>,
        %get3A_159 = arith.index_cast %add3A_156 : i32 to index
        %get3A_160 = tpu.vector_load %arg7[%get3A_159] {strides = array<i32>} : memref<4000xf32, #tpu.memory_space<vmem>>, vector<16xf32>,
        %get3A_161 = arith.index_cast %add3A_156 : i32 to index
        %get3A_162 = tpu.vector_load %arg9[%get3A_161] {strides = array<i32>} : memref<4000xf32, #tpu.memory_space<vmem>>, vector<16xf32>,
        %mul3A_163 = arith.mulf %get3A_160, %get3A_162 : vector<16xf32>
        tpu.vector_store_idx %arg6[%get3A_158], %mul3A_163 {add = true} : memref<100000xf32, #tpu.memory_space<vmem>>[vector<16xi32>], vector<16xf32>,
        %mul3A_164 = arith.constant 400 : i32
        %mul3A_165 = arith.muli %scan3A_76, %mul3A_164 : i32
        %add3A_166 = arith.constant 128 : i32
        %add3A_167 = arith.addi %mul3A_165, %add3A_166 : i32
        %get3A_168 = arith.index_cast %add3A_167 : i32 to index
        %get3A_169 = tpu.vector_load %arg11[%get3A_168] {strides = array<i32>} : memref<4000xi32, #tpu.memory_space<vmem>>, vector<16xi32>,
        %get3A_170 = arith.index_cast %add3A_167 : i32 to index
        %get3A_171 = tpu.vector_load %arg7[%get3A_170] {strides = array<i32>} : memref<4000xf32, #tpu.memory_space<vmem>>, vector<16xf32>,
        %get3A_172 = arith.index_cast %add3A_167 : i32 to index
        %get3A_173 = tpu.vector_load %arg9[%get3A_172] {strides = array<i32>} : memref<4000xf32, #tpu.memory_space<vmem>>, vector<16xf32>,
        %mul3A_174 = arith.mulf %get3A_171, %get3A_173 : vector<16xf32>
        tpu.vector_store_idx %arg6[%get3A_169], %mul3A_174 {add = true} : memref<100000xf32, #tpu.memory_space<vmem>>[vector<16xi32>], vector<16xf32>,
        %mul3A_175 = arith.constant 400 : i32
        %mul3A_176 = arith.muli %scan3A_76, %mul3A_175 : i32
        %add3A_177 = arith.constant 144 : i32
        %add3A_178 = arith.addi %mul3A_176, %add3A_177 : i32
        %get3A_179 = arith.index_cast %add3A_178 : i32 to index
        %get3A_180 = tpu.vector_load %arg11[%get3A_179] {strides = array<i32>} : memref<4000xi32, #tpu.memory_space<vmem>>, vector<16xi32>,
        %get3A_181 = arith.index_cast %add3A_178 : i32 to index
        %get3A_182 = tpu.vector_load %arg7[%get3A_181] {strides = array<i32>} : memref<4000xf32, #tpu.memory_space<vmem>>, vector<16xf32>,
        %get3A_183 = arith.index_cast %add3A_178 : i32 to index
        %get3A_184 = tpu.vector_load %arg9[%get3A_183] {strides = array<i32>} : memref<4000xf32, #tpu.memory_space<vmem>>, vector<16xf32>,
        %mul3A_185 = arith.mulf %get3A_182, %get3A_184 : vector<16xf32>
        tpu.vector_store_idx %arg6[%get3A_180], %mul3A_185 {add = true} : memref<100000xf32, #tpu.memory_space<vmem>>[vector<16xi32>], vector<16xf32>,
        %mul3A_186 = arith.constant 400 : i32
        %mul3A_187 = arith.muli %scan3A_76, %mul3A_186 : i32
        %add3A_188 = arith.constant 160 : i32
        %add3A_189 = arith.addi %mul3A_187, %add3A_188 : i32
        %get3A_190 = arith.index_cast %add3A_189 : i32 to index
        %get3A_191 = tpu.vector_load %arg11[%get3A_190] {strides = array<i32>} : memref<4000xi32, #tpu.memory_space<vmem>>, vector<16xi32>,
        %get3A_192 = arith.index_cast %add3A_189 : i32 to index
        %get3A_193 = tpu.vector_load %arg7[%get3A_192] {strides = array<i32>} : memref<4000xf32, #tpu.memory_space<vmem>>, vector<16xf32>,
        %get3A_194 = arith.index_cast %add3A_189 : i32 to index
        %get3A_195 = tpu.vector_load %arg9[%get3A_194] {strides = array<i32>} : memref<4000xf32, #tpu.memory_space<vmem>>, vector<16xf32>,
        %mul3A_196 = arith.mulf %get3A_193, %get3A_195 : vector<16xf32>
        tpu.vector_store_idx %arg6[%get3A_191], %mul3A_196 {add = true} : memref<100000xf32, #tpu.memory_space<vmem>>[vector<16xi32>], vector<16xf32>,
        %mul3A_197 = arith.constant 400 : i32
        %mul3A_198 = arith.muli %scan3A_76, %mul3A_197 : i32
        %add3A_199 = arith.constant 176 : i32
        %add3A_200 = arith.addi %mul3A_198, %add3A_199 : i32
        %get3A_201 = arith.index_cast %add3A_200 : i32 to index
        %get3A_202 = tpu.vector_load %arg11[%get3A_201] {strides = array<i32>} : memref<4000xi32, #tpu.memory_space<vmem>>, vector<16xi32>,
        %get3A_203 = arith.index_cast %add3A_200 : i32 to index
        %get3A_204 = tpu.vector_load %arg7[%get3A_203] {strides = array<i32>} : memref<4000xf32, #tpu.memory_space<vmem>>, vector<16xf32>,
        %get3A_205 = arith.index_cast %add3A_200 : i32 to index
        %get3A_206 = tpu.vector_load %arg9[%get3A_205] {strides = array<i32>} : memref<4000xf32, #tpu.memory_space<vmem>>, vector<16xf32>,
        %mul3A_207 = arith.mulf %get3A_204, %get3A_206 : vector<16xf32>
        tpu.vector_store_idx %arg6[%get3A_202], %mul3A_207 {add = true} : memref<100000xf32, #tpu.memory_space<vmem>>[vector<16xi32>], vector<16xf32>,
        %mul3A_208 = arith.constant 400 : i32
        %mul3A_209 = arith.muli %scan3A_76, %mul3A_208 : i32
        %add3A_210 = arith.constant 192 : i32
        %add3A_211 = arith.addi %mul3A_209, %add3A_210 : i32
        %get3A_212 = arith.index_cast %add3A_211 : i32 to index
        %get3A_213 = tpu.vector_load %arg11[%get3A_212] {strides = array<i32>} : memref<4000xi32, #tpu.memory_space<vmem>>, vector<16xi32>,
        %get3A_214 = arith.index_cast %add3A_211 : i32 to index
        %get3A_215 = tpu.vector_load %arg7[%get3A_214] {strides = array<i32>} : memref<4000xf32, #tpu.memory_space<vmem>>, vector<16xf32>,
        %get3A_216 = arith.index_cast %add3A_211 : i32 to index
        %get3A_217 = tpu.vector_load %arg9[%get3A_216] {strides = array<i32>} : memref<4000xf32, #tpu.memory_space<vmem>>, vector<16xf32>,
        %mul3A_218 = arith.mulf %get3A_215, %get3A_217 : vector<16xf32>
        tpu.vector_store_idx %arg6[%get3A_213], %mul3A_218 {add = true} : memref<100000xf32, #tpu.memory_space<vmem>>[vector<16xi32>], vector<16xf32>,
        %mul3A_219 = arith.constant 400 : i32
        %mul3A_220 = arith.muli %scan3A_76, %mul3A_219 : i32
        %add3A_221 = arith.constant 208 : i32
        %add3A_222 = arith.addi %mul3A_220, %add3A_221 : i32
        %get3A_223 = arith.index_cast %add3A_222 : i32 to index
        %get3A_224 = tpu.vector_load %arg11[%get3A_223] {strides = array<i32>} : memref<4000xi32, #tpu.memory_space<vmem>>, vector<16xi32>,
        %get3A_225 = arith.index_cast %add3A_222 : i32 to index
        %get3A_226 = tpu.vector_load %arg7[%get3A_225] {strides = array<i32>} : memref<4000xf32, #tpu.memory_space<vmem>>, vector<16xf32>,
        %get3A_227 = arith.index_cast %add3A_222 : i32 to index
        %get3A_228 = tpu.vector_load %arg9[%get3A_227] {strides = array<i32>} : memref<4000xf32, #tpu.memory_space<vmem>>, vector<16xf32>,
        %mul3A_229 = arith.mulf %get3A_226, %get3A_228 : vector<16xf32>
        tpu.vector_store_idx %arg6[%get3A_224], %mul3A_229 {add = true} : memref<100000xf32, #tpu.memory_space<vmem>>[vector<16xi32>], vector<16xf32>,
        %mul3A_230 = arith.constant 400 : i32
        %mul3A_231 = arith.muli %scan3A_76, %mul3A_230 : i32
        %add3A_232 = arith.constant 224 : i32
        %add3A_233 = arith.addi %mul3A_231, %add3A_232 : i32
        %get3A_234 = arith.index_cast %add3A_233 : i32 to index
        %get3A_235 = tpu.vector_load %arg11[%get3A_234] {strides = array<i32>} : memref<4000xi32, #tpu.memory_space<vmem>>, vector<16xi32>,
        %get3A_236 = arith.index_cast %add3A_233 : i32 to index
        %get3A_237 = tpu.vector_load %arg7[%get3A_236] {strides = array<i32>} : memref<4000xf32, #tpu.memory_space<vmem>>, vector<16xf32>,
        %get3A_238 = arith.index_cast %add3A_233 : i32 to index
        %get3A_239 = tpu.vector_load %arg9[%get3A_238] {strides = array<i32>} : memref<4000xf32, #tpu.memory_space<vmem>>, vector<16xf32>,
        %mul3A_240 = arith.mulf %get3A_237, %get3A_239 : vector<16xf32>
        tpu.vector_store_idx %arg6[%get3A_235], %mul3A_240 {add = true} : memref<100000xf32, #tpu.memory_space<vmem>>[vector<16xi32>], vector<16xf32>,
        %mul3A_241 = arith.constant 400 : i32
        %mul3A_242 = arith.muli %scan3A_76, %mul3A_241 : i32
        %add3A_243 = arith.constant 240 : i32
        %add3A_244 = arith.addi %mul3A_242, %add3A_243 : i32
        %get3A_245 = arith.index_cast %add3A_244 : i32 to index
        %get3A_246 = tpu.vector_load %arg11[%get3A_245] {strides = array<i32>} : memref<4000xi32, #tpu.memory_space<vmem>>, vector<16xi32>,
        %get3A_247 = arith.index_cast %add3A_244 : i32 to index
        %get3A_248 = tpu.vector_load %arg7[%get3A_247] {strides = array<i32>} : memref<4000xf32, #tpu.memory_space<vmem>>, vector<16xf32>,
        %get3A_249 = arith.index_cast %add3A_244 : i32 to index
        %get3A_250 = tpu.vector_load %arg9[%get3A_249] {strides = array<i32>} : memref<4000xf32, #tpu.memory_space<vmem>>, vector<16xf32>,
        %mul3A_251 = arith.mulf %get3A_248, %get3A_250 : vector<16xf32>
        tpu.vector_store_idx %arg6[%get3A_246], %mul3A_251 {add = true} : memref<100000xf32, #tpu.memory_space<vmem>>[vector<16xi32>], vector<16xf32>,
        %mul3A_252 = arith.constant 400 : i32
        %mul3A_253 = arith.muli %scan3A_76, %mul3A_252 : i32
        %add3A_254 = arith.constant 256 : i32
        %add3A_255 = arith.addi %mul3A_253, %add3A_254 : i32
        %get3A_256 = arith.index_cast %add3A_255 : i32 to index
        %get3A_257 = tpu.vector_load %arg11[%get3A_256] {strides = array<i32>} : memref<4000xi32, #tpu.memory_space<vmem>>, vector<16xi32>,
        %get3A_258 = arith.index_cast %add3A_255 : i32 to index
        %get3A_259 = tpu.vector_load %arg7[%get3A_258] {strides = array<i32>} : memref<4000xf32, #tpu.memory_space<vmem>>, vector<16xf32>,
        %get3A_260 = arith.index_cast %add3A_255 : i32 to index
        %get3A_261 = tpu.vector_load %arg9[%get3A_260] {strides = array<i32>} : memref<4000xf32, #tpu.memory_space<vmem>>, vector<16xf32>,
        %mul3A_262 = arith.mulf %get3A_259, %get3A_261 : vector<16xf32>
        tpu.vector_store_idx %arg6[%get3A_257], %mul3A_262 {add = true} : memref<100000xf32, #tpu.memory_space<vmem>>[vector<16xi32>], vector<16xf32>,
        %mul3A_263 = arith.constant 400 : i32
        %mul3A_264 = arith.muli %scan3A_76, %mul3A_263 : i32
        %add3A_265 = arith.constant 272 : i32
        %add3A_266 = arith.addi %mul3A_264, %add3A_265 : i32
        %get3A_267 = arith.index_cast %add3A_266 : i32 to index
        %get3A_268 = tpu.vector_load %arg11[%get3A_267] {strides = array<i32>} : memref<4000xi32, #tpu.memory_space<vmem>>, vector<16xi32>,
        %get3A_269 = arith.index_cast %add3A_266 : i32 to index
        %get3A_270 = tpu.vector_load %arg7[%get3A_269] {strides = array<i32>} : memref<4000xf32, #tpu.memory_space<vmem>>, vector<16xf32>,
        %get3A_271 = arith.index_cast %add3A_266 : i32 to index
        %get3A_272 = tpu.vector_load %arg9[%get3A_271] {strides = array<i32>} : memref<4000xf32, #tpu.memory_space<vmem>>, vector<16xf32>,
        %mul3A_273 = arith.mulf %get3A_270, %get3A_272 : vector<16xf32>
        tpu.vector_store_idx %arg6[%get3A_268], %mul3A_273 {add = true} : memref<100000xf32, #tpu.memory_space<vmem>>[vector<16xi32>], vector<16xf32>,
        %mul3A_274 = arith.constant 400 : i32
        %mul3A_275 = arith.muli %scan3A_76, %mul3A_274 : i32
        %add3A_276 = arith.constant 288 : i32
        %add3A_277 = arith.addi %mul3A_275, %add3A_276 : i32
        %get3A_278 = arith.index_cast %add3A_277 : i32 to index
        %get3A_279 = tpu.vector_load %arg11[%get3A_278] {strides = array<i32>} : memref<4000xi32, #tpu.memory_space<vmem>>, vector<16xi32>,
        %get3A_280 = arith.index_cast %add3A_277 : i32 to index
        %get3A_281 = tpu.vector_load %arg7[%get3A_280] {strides = array<i32>} : memref<4000xf32, #tpu.memory_space<vmem>>, vector<16xf32>,
        %get3A_282 = arith.index_cast %add3A_277 : i32 to index
        %get3A_283 = tpu.vector_load %arg9[%get3A_282] {strides = array<i32>} : memref<4000xf32, #tpu.memory_space<vmem>>, vector<16xf32>,
        %mul3A_284 = arith.mulf %get3A_281, %get3A_283 : vector<16xf32>
        tpu.vector_store_idx %arg6[%get3A_279], %mul3A_284 {add = true} : memref<100000xf32, #tpu.memory_space<vmem>>[vector<16xi32>], vector<16xf32>,
        %mul3A_285 = arith.constant 400 : i32
        %mul3A_286 = arith.muli %scan3A_76, %mul3A_285 : i32
        %add3A_287 = arith.constant 304 : i32
        %add3A_288 = arith.addi %mul3A_286, %add3A_287 : i32
        %get3A_289 = arith.index_cast %add3A_288 : i32 to index
        %get3A_290 = tpu.vector_load %arg11[%get3A_289] {strides = array<i32>} : memref<4000xi32, #tpu.memory_space<vmem>>, vector<16xi32>,
        %get3A_291 = arith.index_cast %add3A_288 : i32 to index
        %get3A_292 = tpu.vector_load %arg7[%get3A_291] {strides = array<i32>} : memref<4000xf32, #tpu.memory_space<vmem>>, vector<16xf32>,
        %get3A_293 = arith.index_cast %add3A_288 : i32 to index
        %get3A_294 = tpu.vector_load %arg9[%get3A_293] {strides = array<i32>} : memref<4000xf32, #tpu.memory_space<vmem>>, vector<16xf32>,
        %mul3A_295 = arith.mulf %get3A_292, %get3A_294 : vector<16xf32>
        tpu.vector_store_idx %arg6[%get3A_290], %mul3A_295 {add = true} : memref<100000xf32, #tpu.memory_space<vmem>>[vector<16xi32>], vector<16xf32>,
        %mul3A_296 = arith.constant 400 : i32
        %mul3A_297 = arith.muli %scan3A_76, %mul3A_296 : i32
        %add3A_298 = arith.constant 320 : i32
        %add3A_299 = arith.addi %mul3A_297, %add3A_298 : i32
        %get3A_300 = arith.index_cast %add3A_299 : i32 to index
        %get3A_301 = tpu.vector_load %arg11[%get3A_300] {strides = array<i32>} : memref<4000xi32, #tpu.memory_space<vmem>>, vector<16xi32>,
        %get3A_302 = arith.index_cast %add3A_299 : i32 to index
        %get3A_303 = tpu.vector_load %arg7[%get3A_302] {strides = array<i32>} : memref<4000xf32, #tpu.memory_space<vmem>>, vector<16xf32>,
        %get3A_304 = arith.index_cast %add3A_299 : i32 to index
        %get3A_305 = tpu.vector_load %arg9[%get3A_304] {strides = array<i32>} : memref<4000xf32, #tpu.memory_space<vmem>>, vector<16xf32>,
        %mul3A_306 = arith.mulf %get3A_303, %get3A_305 : vector<16xf32>
        tpu.vector_store_idx %arg6[%get3A_301], %mul3A_306 {add = true} : memref<100000xf32, #tpu.memory_space<vmem>>[vector<16xi32>], vector<16xf32>,
        %mul3A_307 = arith.constant 400 : i32
        %mul3A_308 = arith.muli %scan3A_76, %mul3A_307 : i32
        %add3A_309 = arith.constant 336 : i32
        %add3A_310 = arith.addi %mul3A_308, %add3A_309 : i32
        %get3A_311 = arith.index_cast %add3A_310 : i32 to index
        %get3A_312 = tpu.vector_load %arg11[%get3A_311] {strides = array<i32>} : memref<4000xi32, #tpu.memory_space<vmem>>, vector<16xi32>,
        %get3A_313 = arith.index_cast %add3A_310 : i32 to index
        %get3A_314 = tpu.vector_load %arg7[%get3A_313] {strides = array<i32>} : memref<4000xf32, #tpu.memory_space<vmem>>, vector<16xf32>,
        %get3A_315 = arith.index_cast %add3A_310 : i32 to index
        %get3A_316 = tpu.vector_load %arg9[%get3A_315] {strides = array<i32>} : memref<4000xf32, #tpu.memory_space<vmem>>, vector<16xf32>,
        %mul3A_317 = arith.mulf %get3A_314, %get3A_316 : vector<16xf32>
        tpu.vector_store_idx %arg6[%get3A_312], %mul3A_317 {add = true} : memref<100000xf32, #tpu.memory_space<vmem>>[vector<16xi32>], vector<16xf32>,
        %mul3A_318 = arith.constant 400 : i32
        %mul3A_319 = arith.muli %scan3A_76, %mul3A_318 : i32
        %add3A_320 = arith.constant 352 : i32
        %add3A_321 = arith.addi %mul3A_319, %add3A_320 : i32
        %get3A_322 = arith.index_cast %add3A_321 : i32 to index
        %get3A_323 = tpu.vector_load %arg11[%get3A_322] {strides = array<i32>} : memref<4000xi32, #tpu.memory_space<vmem>>, vector<16xi32>,
        %get3A_324 = arith.index_cast %add3A_321 : i32 to index
        %get3A_325 = tpu.vector_load %arg7[%get3A_324] {strides = array<i32>} : memref<4000xf32, #tpu.memory_space<vmem>>, vector<16xf32>,
        %get3A_326 = arith.index_cast %add3A_321 : i32 to index
        %get3A_327 = tpu.vector_load %arg9[%get3A_326] {strides = array<i32>} : memref<4000xf32, #tpu.memory_space<vmem>>, vector<16xf32>,
        %mul3A_328 = arith.mulf %get3A_325, %get3A_327 : vector<16xf32>
        tpu.vector_store_idx %arg6[%get3A_323], %mul3A_328 {add = true} : memref<100000xf32, #tpu.memory_space<vmem>>[vector<16xi32>], vector<16xf32>,
        %mul3A_329 = arith.constant 400 : i32
        %mul3A_330 = arith.muli %scan3A_76, %mul3A_329 : i32
        %add3A_331 = arith.constant 368 : i32
        %add3A_332 = arith.addi %mul3A_330, %add3A_331 : i32
        %get3A_333 = arith.index_cast %add3A_332 : i32 to index
        %get3A_334 = tpu.vector_load %arg11[%get3A_333] {strides = array<i32>} : memref<4000xi32, #tpu.memory_space<vmem>>, vector<16xi32>,
        %get3A_335 = arith.index_cast %add3A_332 : i32 to index
        %get3A_336 = tpu.vector_load %arg7[%get3A_335] {strides = array<i32>} : memref<4000xf32, #tpu.memory_space<vmem>>, vector<16xf32>,
        %get3A_337 = arith.index_cast %add3A_332 : i32 to index
        %get3A_338 = tpu.vector_load %arg9[%get3A_337] {strides = array<i32>} : memref<4000xf32, #tpu.memory_space<vmem>>, vector<16xf32>,
        %mul3A_339 = arith.mulf %get3A_336, %get3A_338 : vector<16xf32>
        tpu.vector_store_idx %arg6[%get3A_334], %mul3A_339 {add = true} : memref<100000xf32, #tpu.memory_space<vmem>>[vector<16xi32>], vector<16xf32>,
        %mul3A_340 = arith.constant 400 : i32
        %mul3A_341 = arith.muli %scan3A_76, %mul3A_340 : i32
        %add3A_342 = arith.constant 384 : i32
        %add3A_343 = arith.addi %mul3A_341, %add3A_342 : i32
        %get3A_344 = arith.index_cast %add3A_343 : i32 to index
        %get3A_345 = tpu.vector_load %arg11[%get3A_344] {strides = array<i32>} : memref<4000xi32, #tpu.memory_space<vmem>>, vector<16xi32>,
        %get3A_346 = arith.index_cast %add3A_343 : i32 to index
        %get3A_347 = tpu.vector_load %arg7[%get3A_346] {strides = array<i32>} : memref<4000xf32, #tpu.memory_space<vmem>>, vector<16xf32>,
        %get3A_348 = arith.index_cast %add3A_343 : i32 to index
        %get3A_349 = tpu.vector_load %arg9[%get3A_348] {strides = array<i32>} : memref<4000xf32, #tpu.memory_space<vmem>>, vector<16xf32>,
        %mul3A_350 = arith.mulf %get3A_347, %get3A_349 : vector<16xf32>
        tpu.vector_store_idx %arg6[%get3A_345], %mul3A_350 {add = true} : memref<100000xf32, #tpu.memory_space<vmem>>[vector<16xi32>], vector<16xf32>,
      }
      %scan3A_46 = arith.constant 10 : i32
      %mul3A_47 = arith.constant 2 : i32
      %mul3A_48 = arith.muli %scan3A_22, %mul3A_47 : i32
      %add3A_49 = arith.constant 1 : i32
      %add3A_50 = arith.addi %mul3A_48, %add3A_49 : i32
      %add3A_51 = arith.constant 2 : i32
      %add3A_52 = arith.addi %add3A_50, %add3A_51 : i32
      %sub3A_53 = arith.constant 1 : i32
      %sub3A_54 = arith.subi %add3A_52, %sub3A_53 : i32
      %lt3A_55 = arith.constant 50 : i32
      %lt3A_56 = arith.cmpi slt, %sub3A_54, %lt3A_55 : i32
      %convert_element_type3A_57 = arith.extui %lt3A_56 : i1 to i32
      %cond3A_58 = arith.constant 0 : i32
      %cond3A_59 = arith.cmpi ne, %convert_element_type3A_57, %cond3A_58 : i32
      scf.if %cond3A_59 {
        %mul3A_76 = arith.constant 4000 : i32
        %mul3A_77 = arith.muli %sub3A_54, %mul3A_76 : i32
        %add3A_78 = arith.addi %mul3A_2, %mul3A_77 : i32
        %multiple_of3A_79 = tpu.assume_multiple %add3A_78, 4000 : i32
        %dma_start3A_80 = tpu.memref_slice %arg2[%multiple_of3A_79] : memref<3200000xf32, #tpu.memory_space<hbm>> -> memref<4000xf32, #tpu.memory_space<hbm>>
        %dma_start3A_81 = tpu.memref_slice %arg2[%multiple_of3A_79] : memref<3200000xf32, #tpu.memory_space<hbm>> -> memref<4000xf32, #tpu.memory_space<hbm>>
        tpu.enqueue_dma source(%dma_start3A_81 : memref<4000xf32, #tpu.memory_space<hbm>>) target(%arg7 : memref<4000xf32, #tpu.memory_space<vmem>>) target_semaphore(%arg13 : memref<!tpu.dma_semaphore, #tpu.memory_space<semaphore_mem>>)
        %dma_start3A_82 = tpu.memref_slice %arg3[%multiple_of3A_79] : memref<3200000xf32, #tpu.memory_space<hbm>> -> memref<4000xf32, #tpu.memory_space<hbm>>
        %dma_start3A_83 = tpu.memref_slice %arg3[%multiple_of3A_79] : memref<3200000xf32, #tpu.memory_space<hbm>> -> memref<4000xf32, #tpu.memory_space<hbm>>
        tpu.enqueue_dma source(%dma_start3A_83 : memref<4000xf32, #tpu.memory_space<hbm>>) target(%arg9 : memref<4000xf32, #tpu.memory_space<vmem>>) target_semaphore(%arg13 : memref<!tpu.dma_semaphore, #tpu.memory_space<semaphore_mem>>)
        %dma_start3A_84 = tpu.memref_slice %arg4[%multiple_of3A_79] : memref<3200000xi32, #tpu.memory_space<hbm>> -> memref<4000xi32, #tpu.memory_space<hbm>>
        %dma_start3A_85 = tpu.memref_slice %arg4[%multiple_of3A_79] : memref<3200000xi32, #tpu.memory_space<hbm>> -> memref<4000xi32, #tpu.memory_space<hbm>>
        tpu.enqueue_dma source(%dma_start3A_85 : memref<4000xi32, #tpu.memory_space<hbm>>) target(%arg11 : memref<4000xi32, #tpu.memory_space<vmem>>) target_semaphore(%arg13 : memref<!tpu.dma_semaphore, #tpu.memory_space<semaphore_mem>>)
      } else {
      }
      %mul3A_60 = arith.constant 4000 : i32
      %mul3A_61 = arith.muli %add3A_50, %mul3A_60 : i32
      %add3A_62 = arith.addi %mul3A_2, %mul3A_61 : i32
      %multiple_of3A_63 = tpu.assume_multiple %add3A_62, 4000 : i32
      %dma_wait3A_64 = tpu.memref_slice %arg2[%multiple_of3A_63] : memref<3200000xf32, #tpu.memory_space<hbm>> -> memref<4000xf32, #tpu.memory_space<hbm>>
      %dma_wait3A_65 = tpu.memref_slice %arg2[%multiple_of3A_63] : memref<3200000xf32, #tpu.memory_space<hbm>> -> memref<4000xf32, #tpu.memory_space<hbm>>
      tpu.wait_dma2 semaphore(%arg14 : memref<!tpu.dma_semaphore, #tpu.memory_space<semaphore_mem>>) src(%dma_wait3A_65 : memref<4000xf32, #tpu.memory_space<hbm>>) dst(%arg8 : memref<4000xf32, #tpu.memory_space<vmem>>)
      %dma_wait3A_66 = tpu.memref_slice %arg3[%multiple_of3A_63] : memref<3200000xf32, #tpu.memory_space<hbm>> -> memref<4000xf32, #tpu.memory_space<hbm>>
      %dma_wait3A_67 = tpu.memref_slice %arg3[%multiple_of3A_63] : memref<3200000xf32, #tpu.memory_space<hbm>> -> memref<4000xf32, #tpu.memory_space<hbm>>
      tpu.wait_dma2 semaphore(%arg14 : memref<!tpu.dma_semaphore, #tpu.memory_space<semaphore_mem>>) src(%dma_wait3A_67 : memref<4000xf32, #tpu.memory_space<hbm>>) dst(%arg10 : memref<4000xf32, #tpu.memory_space<vmem>>)
      %dma_wait3A_68 = tpu.memref_slice %arg4[%multiple_of3A_63] : memref<3200000xi32, #tpu.memory_space<hbm>> -> memref<4000xi32, #tpu.memory_space<hbm>>
      %dma_wait3A_69 = tpu.memref_slice %arg4[%multiple_of3A_63] : memref<3200000xi32, #tpu.memory_space<hbm>> -> memref<4000xi32, #tpu.memory_space<hbm>>
      tpu.wait_dma2 semaphore(%arg14 : memref<!tpu.dma_semaphore, #tpu.memory_space<semaphore_mem>>) src(%dma_wait3A_69 : memref<4000xi32, #tpu.memory_space<hbm>>) dst(%arg12 : memref<4000xi32, #tpu.memory_space<vmem>>)
      %scan3A_70 = arith.constant 0 : i32
      %scan3A_71 = arith.constant 0 : i32
      %scan3A_72 = arith.constant 10 : i32
      %scan3A_73 = arith.addi %scan3A_71, %scan3A_72 : i32
      %scan3A_74 = arith.constant 1 : i32
      scf.for %scan3A_76 = %scan3A_71 to %scan3A_73 step %scan3A_74  : i32 {
        %mul3A_77 = arith.constant 400 : i32
        %mul3A_78 = arith.muli %scan3A_76, %mul3A_77 : i32
        %add3A_79 = arith.constant 0 : i32
        %add3A_80 = arith.addi %mul3A_78, %add3A_79 : i32
        %get3A = arith.index_cast %add3A_80 : i32 to index
        %get3A_81 = tpu.vector_load %arg12[%get3A] {strides = array<i32>} : memref<4000xi32, #tpu.memory_space<vmem>>, vector<16xi32>,
        %get3A_82 = arith.index_cast %add3A_80 : i32 to index
        %get3A_83 = tpu.vector_load %arg8[%get3A_82] {strides = array<i32>} : memref<4000xf32, #tpu.memory_space<vmem>>, vector<16xf32>,
        %get3A_84 = arith.index_cast %add3A_80 : i32 to index
        %get3A_85 = tpu.vector_load %arg10[%get3A_84] {strides = array<i32>} : memref<4000xf32, #tpu.memory_space<vmem>>, vector<16xf32>,
        %mul3A_86 = arith.mulf %get3A_83, %get3A_85 : vector<16xf32>
        tpu.vector_store_idx %arg6[%get3A_81], %mul3A_86 {add = true} : memref<100000xf32, #tpu.memory_space<vmem>>[vector<16xi32>], vector<16xf32>,
        %mul3A_87 = arith.constant 400 : i32
        %mul3A_88 = arith.muli %scan3A_76, %mul3A_87 : i32
        %add3A_89 = arith.constant 16 : i32
        %add3A_90 = arith.addi %mul3A_88, %add3A_89 : i32
        %get3A_91 = arith.index_cast %add3A_90 : i32 to index
        %get3A_92 = tpu.vector_load %arg12[%get3A_91] {strides = array<i32>} : memref<4000xi32, #tpu.memory_space<vmem>>, vector<16xi32>,
        %get3A_93 = arith.index_cast %add3A_90 : i32 to index
        %get3A_94 = tpu.vector_load %arg8[%get3A_93] {strides = array<i32>} : memref<4000xf32, #tpu.memory_space<vmem>>, vector<16xf32>,
        %get3A_95 = arith.index_cast %add3A_90 : i32 to index
        %get3A_96 = tpu.vector_load %arg10[%get3A_95] {strides = array<i32>} : memref<4000xf32, #tpu.memory_space<vmem>>, vector<16xf32>,
        %mul3A_97 = arith.mulf %get3A_94, %get3A_96 : vector<16xf32>
        tpu.vector_store_idx %arg6[%get3A_92], %mul3A_97 {add = true} : memref<100000xf32, #tpu.memory_space<vmem>>[vector<16xi32>], vector<16xf32>,
        %mul3A_98 = arith.constant 400 : i32
        %mul3A_99 = arith.muli %scan3A_76, %mul3A_98 : i32
        %add3A_100 = arith.constant 32 : i32
        %add3A_101 = arith.addi %mul3A_99, %add3A_100 : i32
        %get3A_102 = arith.index_cast %add3A_101 : i32 to index
        %get3A_103 = tpu.vector_load %arg12[%get3A_102] {strides = array<i32>} : memref<4000xi32, #tpu.memory_space<vmem>>, vector<16xi32>,
        %get3A_104 = arith.index_cast %add3A_101 : i32 to index
        %get3A_105 = tpu.vector_load %arg8[%get3A_104] {strides = array<i32>} : memref<4000xf32, #tpu.memory_space<vmem>>, vector<16xf32>,
        %get3A_106 = arith.index_cast %add3A_101 : i32 to index
        %get3A_107 = tpu.vector_load %arg10[%get3A_106] {strides = array<i32>} : memref<4000xf32, #tpu.memory_space<vmem>>, vector<16xf32>,
        %mul3A_108 = arith.mulf %get3A_105, %get3A_107 : vector<16xf32>
        tpu.vector_store_idx %arg6[%get3A_103], %mul3A_108 {add = true} : memref<100000xf32, #tpu.memory_space<vmem>>[vector<16xi32>], vector<16xf32>,
        %mul3A_109 = arith.constant 400 : i32
        %mul3A_110 = arith.muli %scan3A_76, %mul3A_109 : i32
        %add3A_111 = arith.constant 48 : i32
        %add3A_112 = arith.addi %mul3A_110, %add3A_111 : i32
        %get3A_113 = arith.index_cast %add3A_112 : i32 to index
        %get3A_114 = tpu.vector_load %arg12[%get3A_113] {strides = array<i32>} : memref<4000xi32, #tpu.memory_space<vmem>>, vector<16xi32>,
        %get3A_115 = arith.index_cast %add3A_112 : i32 to index
        %get3A_116 = tpu.vector_load %arg8[%get3A_115] {strides = array<i32>} : memref<4000xf32, #tpu.memory_space<vmem>>, vector<16xf32>,
        %get3A_117 = arith.index_cast %add3A_112 : i32 to index
        %get3A_118 = tpu.vector_load %arg10[%get3A_117] {strides = array<i32>} : memref<4000xf32, #tpu.memory_space<vmem>>, vector<16xf32>,
        %mul3A_119 = arith.mulf %get3A_116, %get3A_118 : vector<16xf32>
        tpu.vector_store_idx %arg6[%get3A_114], %mul3A_119 {add = true} : memref<100000xf32, #tpu.memory_space<vmem>>[vector<16xi32>], vector<16xf32>,
        %mul3A_120 = arith.constant 400 : i32
        %mul3A_121 = arith.muli %scan3A_76, %mul3A_120 : i32
        %add3A_122 = arith.constant 64 : i32
        %add3A_123 = arith.addi %mul3A_121, %add3A_122 : i32
        %get3A_124 = arith.index_cast %add3A_123 : i32 to index
        %get3A_125 = tpu.vector_load %arg12[%get3A_124] {strides = array<i32>} : memref<4000xi32, #tpu.memory_space<vmem>>, vector<16xi32>,
        %get3A_126 = arith.index_cast %add3A_123 : i32 to index
        %get3A_127 = tpu.vector_load %arg8[%get3A_126] {strides = array<i32>} : memref<4000xf32, #tpu.memory_space<vmem>>, vector<16xf32>,
        %get3A_128 = arith.index_cast %add3A_123 : i32 to index
        %get3A_129 = tpu.vector_load %arg10[%get3A_128] {strides = array<i32>} : memref<4000xf32, #tpu.memory_space<vmem>>, vector<16xf32>,
        %mul3A_130 = arith.mulf %get3A_127, %get3A_129 : vector<16xf32>
        tpu.vector_store_idx %arg6[%get3A_125], %mul3A_130 {add = true} : memref<100000xf32, #tpu.memory_space<vmem>>[vector<16xi32>], vector<16xf32>,
        %mul3A_131 = arith.constant 400 : i32
        %mul3A_132 = arith.muli %scan3A_76, %mul3A_131 : i32
        %add3A_133 = arith.constant 80 : i32
        %add3A_134 = arith.addi %mul3A_132, %add3A_133 : i32
        %get3A_135 = arith.index_cast %add3A_134 : i32 to index
        %get3A_136 = tpu.vector_load %arg12[%get3A_135] {strides = array<i32>} : memref<4000xi32, #tpu.memory_space<vmem>>, vector<16xi32>,
        %get3A_137 = arith.index_cast %add3A_134 : i32 to index
        %get3A_138 = tpu.vector_load %arg8[%get3A_137] {strides = array<i32>} : memref<4000xf32, #tpu.memory_space<vmem>>, vector<16xf32>,
        %get3A_139 = arith.index_cast %add3A_134 : i32 to index
        %get3A_140 = tpu.vector_load %arg10[%get3A_139] {strides = array<i32>} : memref<4000xf32, #tpu.memory_space<vmem>>, vector<16xf32>,
        %mul3A_141 = arith.mulf %get3A_138, %get3A_140 : vector<16xf32>
        tpu.vector_store_idx %arg6[%get3A_136], %mul3A_141 {add = true} : memref<100000xf32, #tpu.memory_space<vmem>>[vector<16xi32>], vector<16xf32>,
        %mul3A_142 = arith.constant 400 : i32
        %mul3A_143 = arith.muli %scan3A_76, %mul3A_142 : i32
        %add3A_144 = arith.constant 96 : i32
        %add3A_145 = arith.addi %mul3A_143, %add3A_144 : i32
        %get3A_146 = arith.index_cast %add3A_145 : i32 to index
        %get3A_147 = tpu.vector_load %arg12[%get3A_146] {strides = array<i32>} : memref<4000xi32, #tpu.memory_space<vmem>>, vector<16xi32>,
        %get3A_148 = arith.index_cast %add3A_145 : i32 to index
        %get3A_149 = tpu.vector_load %arg8[%get3A_148] {strides = array<i32>} : memref<4000xf32, #tpu.memory_space<vmem>>, vector<16xf32>,
        %get3A_150 = arith.index_cast %add3A_145 : i32 to index
        %get3A_151 = tpu.vector_load %arg10[%get3A_150] {strides = array<i32>} : memref<4000xf32, #tpu.memory_space<vmem>>, vector<16xf32>,
        %mul3A_152 = arith.mulf %get3A_149, %get3A_151 : vector<16xf32>
        tpu.vector_store_idx %arg6[%get3A_147], %mul3A_152 {add = true} : memref<100000xf32, #tpu.memory_space<vmem>>[vector<16xi32>], vector<16xf32>,
        %mul3A_153 = arith.constant 400 : i32
        %mul3A_154 = arith.muli %scan3A_76, %mul3A_153 : i32
        %add3A_155 = arith.constant 112 : i32
        %add3A_156 = arith.addi %mul3A_154, %add3A_155 : i32
        %get3A_157 = arith.index_cast %add3A_156 : i32 to index
        %get3A_158 = tpu.vector_load %arg12[%get3A_157] {strides = array<i32>} : memref<4000xi32, #tpu.memory_space<vmem>>, vector<16xi32>,
        %get3A_159 = arith.index_cast %add3A_156 : i32 to index
        %get3A_160 = tpu.vector_load %arg8[%get3A_159] {strides = array<i32>} : memref<4000xf32, #tpu.memory_space<vmem>>, vector<16xf32>,
        %get3A_161 = arith.index_cast %add3A_156 : i32 to index
        %get3A_162 = tpu.vector_load %arg10[%get3A_161] {strides = array<i32>} : memref<4000xf32, #tpu.memory_space<vmem>>, vector<16xf32>,
        %mul3A_163 = arith.mulf %get3A_160, %get3A_162 : vector<16xf32>
        tpu.vector_store_idx %arg6[%get3A_158], %mul3A_163 {add = true} : memref<100000xf32, #tpu.memory_space<vmem>>[vector<16xi32>], vector<16xf32>,
        %mul3A_164 = arith.constant 400 : i32
        %mul3A_165 = arith.muli %scan3A_76, %mul3A_164 : i32
        %add3A_166 = arith.constant 128 : i32
        %add3A_167 = arith.addi %mul3A_165, %add3A_166 : i32
        %get3A_168 = arith.index_cast %add3A_167 : i32 to index
        %get3A_169 = tpu.vector_load %arg12[%get3A_168] {strides = array<i32>} : memref<4000xi32, #tpu.memory_space<vmem>>, vector<16xi32>,
        %get3A_170 = arith.index_cast %add3A_167 : i32 to index
        %get3A_171 = tpu.vector_load %arg8[%get3A_170] {strides = array<i32>} : memref<4000xf32, #tpu.memory_space<vmem>>, vector<16xf32>,
        %get3A_172 = arith.index_cast %add3A_167 : i32 to index
        %get3A_173 = tpu.vector_load %arg10[%get3A_172] {strides = array<i32>} : memref<4000xf32, #tpu.memory_space<vmem>>, vector<16xf32>,
        %mul3A_174 = arith.mulf %get3A_171, %get3A_173 : vector<16xf32>
        tpu.vector_store_idx %arg6[%get3A_169], %mul3A_174 {add = true} : memref<100000xf32, #tpu.memory_space<vmem>>[vector<16xi32>], vector<16xf32>,
        %mul3A_175 = arith.constant 400 : i32
        %mul3A_176 = arith.muli %scan3A_76, %mul3A_175 : i32
        %add3A_177 = arith.constant 144 : i32
        %add3A_178 = arith.addi %mul3A_176, %add3A_177 : i32
        %get3A_179 = arith.index_cast %add3A_178 : i32 to index
        %get3A_180 = tpu.vector_load %arg12[%get3A_179] {strides = array<i32>} : memref<4000xi32, #tpu.memory_space<vmem>>, vector<16xi32>,
        %get3A_181 = arith.index_cast %add3A_178 : i32 to index
        %get3A_182 = tpu.vector_load %arg8[%get3A_181] {strides = array<i32>} : memref<4000xf32, #tpu.memory_space<vmem>>, vector<16xf32>,
        %get3A_183 = arith.index_cast %add3A_178 : i32 to index
        %get3A_184 = tpu.vector_load %arg10[%get3A_183] {strides = array<i32>} : memref<4000xf32, #tpu.memory_space<vmem>>, vector<16xf32>,
        %mul3A_185 = arith.mulf %get3A_182, %get3A_184 : vector<16xf32>
        tpu.vector_store_idx %arg6[%get3A_180], %mul3A_185 {add = true} : memref<100000xf32, #tpu.memory_space<vmem>>[vector<16xi32>], vector<16xf32>,
        %mul3A_186 = arith.constant 400 : i32
        %mul3A_187 = arith.muli %scan3A_76, %mul3A_186 : i32
        %add3A_188 = arith.constant 160 : i32
        %add3A_189 = arith.addi %mul3A_187, %add3A_188 : i32
        %get3A_190 = arith.index_cast %add3A_189 : i32 to index
        %get3A_191 = tpu.vector_load %arg12[%get3A_190] {strides = array<i32>} : memref<4000xi32, #tpu.memory_space<vmem>>, vector<16xi32>,
        %get3A_192 = arith.index_cast %add3A_189 : i32 to index
        %get3A_193 = tpu.vector_load %arg8[%get3A_192] {strides = array<i32>} : memref<4000xf32, #tpu.memory_space<vmem>>, vector<16xf32>,
        %get3A_194 = arith.index_cast %add3A_189 : i32 to index
        %get3A_195 = tpu.vector_load %arg10[%get3A_194] {strides = array<i32>} : memref<4000xf32, #tpu.memory_space<vmem>>, vector<16xf32>,
        %mul3A_196 = arith.mulf %get3A_193, %get3A_195 : vector<16xf32>
        tpu.vector_store_idx %arg6[%get3A_191], %mul3A_196 {add = true} : memref<100000xf32, #tpu.memory_space<vmem>>[vector<16xi32>], vector<16xf32>,
        %mul3A_197 = arith.constant 400 : i32
        %mul3A_198 = arith.muli %scan3A_76, %mul3A_197 : i32
        %add3A_199 = arith.constant 176 : i32
        %add3A_200 = arith.addi %mul3A_198, %add3A_199 : i32
        %get3A_201 = arith.index_cast %add3A_200 : i32 to index
        %get3A_202 = tpu.vector_load %arg12[%get3A_201] {strides = array<i32>} : memref<4000xi32, #tpu.memory_space<vmem>>, vector<16xi32>,
        %get3A_203 = arith.index_cast %add3A_200 : i32 to index
        %get3A_204 = tpu.vector_load %arg8[%get3A_203] {strides = array<i32>} : memref<4000xf32, #tpu.memory_space<vmem>>, vector<16xf32>,
        %get3A_205 = arith.index_cast %add3A_200 : i32 to index
        %get3A_206 = tpu.vector_load %arg10[%get3A_205] {strides = array<i32>} : memref<4000xf32, #tpu.memory_space<vmem>>, vector<16xf32>,
        %mul3A_207 = arith.mulf %get3A_204, %get3A_206 : vector<16xf32>
        tpu.vector_store_idx %arg6[%get3A_202], %mul3A_207 {add = true} : memref<100000xf32, #tpu.memory_space<vmem>>[vector<16xi32>], vector<16xf32>,
        %mul3A_208 = arith.constant 400 : i32
        %mul3A_209 = arith.muli %scan3A_76, %mul3A_208 : i32
        %add3A_210 = arith.constant 192 : i32
        %add3A_211 = arith.addi %mul3A_209, %add3A_210 : i32
        %get3A_212 = arith.index_cast %add3A_211 : i32 to index
        %get3A_213 = tpu.vector_load %arg12[%get3A_212] {strides = array<i32>} : memref<4000xi32, #tpu.memory_space<vmem>>, vector<16xi32>,
        %get3A_214 = arith.index_cast %add3A_211 : i32 to index
        %get3A_215 = tpu.vector_load %arg8[%get3A_214] {strides = array<i32>} : memref<4000xf32, #tpu.memory_space<vmem>>, vector<16xf32>,
        %get3A_216 = arith.index_cast %add3A_211 : i32 to index
        %get3A_217 = tpu.vector_load %arg10[%get3A_216] {strides = array<i32>} : memref<4000xf32, #tpu.memory_space<vmem>>, vector<16xf32>,
        %mul3A_218 = arith.mulf %get3A_215, %get3A_217 : vector<16xf32>
        tpu.vector_store_idx %arg6[%get3A_213], %mul3A_218 {add = true} : memref<100000xf32, #tpu.memory_space<vmem>>[vector<16xi32>], vector<16xf32>,
        %mul3A_219 = arith.constant 400 : i32
        %mul3A_220 = arith.muli %scan3A_76, %mul3A_219 : i32
        %add3A_221 = arith.constant 208 : i32
        %add3A_222 = arith.addi %mul3A_220, %add3A_221 : i32
        %get3A_223 = arith.index_cast %add3A_222 : i32 to index
        %get3A_224 = tpu.vector_load %arg12[%get3A_223] {strides = array<i32>} : memref<4000xi32, #tpu.memory_space<vmem>>, vector<16xi32>,
        %get3A_225 = arith.index_cast %add3A_222 : i32 to index
        %get3A_226 = tpu.vector_load %arg8[%get3A_225] {strides = array<i32>} : memref<4000xf32, #tpu.memory_space<vmem>>, vector<16xf32>,
        %get3A_227 = arith.index_cast %add3A_222 : i32 to index
        %get3A_228 = tpu.vector_load %arg10[%get3A_227] {strides = array<i32>} : memref<4000xf32, #tpu.memory_space<vmem>>, vector<16xf32>,
        %mul3A_229 = arith.mulf %get3A_226, %get3A_228 : vector<16xf32>
        tpu.vector_store_idx %arg6[%get3A_224], %mul3A_229 {add = true} : memref<100000xf32, #tpu.memory_space<vmem>>[vector<16xi32>], vector<16xf32>,
        %mul3A_230 = arith.constant 400 : i32
        %mul3A_231 = arith.muli %scan3A_76, %mul3A_230 : i32
        %add3A_232 = arith.constant 224 : i32
        %add3A_233 = arith.addi %mul3A_231, %add3A_232 : i32
        %get3A_234 = arith.index_cast %add3A_233 : i32 to index
        %get3A_235 = tpu.vector_load %arg12[%get3A_234] {strides = array<i32>} : memref<4000xi32, #tpu.memory_space<vmem>>, vector<16xi32>,
        %get3A_236 = arith.index_cast %add3A_233 : i32 to index
        %get3A_237 = tpu.vector_load %arg8[%get3A_236] {strides = array<i32>} : memref<4000xf32, #tpu.memory_space<vmem>>, vector<16xf32>,
        %get3A_238 = arith.index_cast %add3A_233 : i32 to index
        %get3A_239 = tpu.vector_load %arg10[%get3A_238] {strides = array<i32>} : memref<4000xf32, #tpu.memory_space<vmem>>, vector<16xf32>,
        %mul3A_240 = arith.mulf %get3A_237, %get3A_239 : vector<16xf32>
        tpu.vector_store_idx %arg6[%get3A_235], %mul3A_240 {add = true} : memref<100000xf32, #tpu.memory_space<vmem>>[vector<16xi32>], vector<16xf32>,
        %mul3A_241 = arith.constant 400 : i32
        %mul3A_242 = arith.muli %scan3A_76, %mul3A_241 : i32
        %add3A_243 = arith.constant 240 : i32
        %add3A_244 = arith.addi %mul3A_242, %add3A_243 : i32
        %get3A_245 = arith.index_cast %add3A_244 : i32 to index
        %get3A_246 = tpu.vector_load %arg12[%get3A_245] {strides = array<i32>} : memref<4000xi32, #tpu.memory_space<vmem>>, vector<16xi32>,
        %get3A_247 = arith.index_cast %add3A_244 : i32 to index
        %get3A_248 = tpu.vector_load %arg8[%get3A_247] {strides = array<i32>} : memref<4000xf32, #tpu.memory_space<vmem>>, vector<16xf32>,
        %get3A_249 = arith.index_cast %add3A_244 : i32 to index
        %get3A_250 = tpu.vector_load %arg10[%get3A_249] {strides = array<i32>} : memref<4000xf32, #tpu.memory_space<vmem>>, vector<16xf32>,
        %mul3A_251 = arith.mulf %get3A_248, %get3A_250 : vector<16xf32>
        tpu.vector_store_idx %arg6[%get3A_246], %mul3A_251 {add = true} : memref<100000xf32, #tpu.memory_space<vmem>>[vector<16xi32>], vector<16xf32>,
        %mul3A_252 = arith.constant 400 : i32
        %mul3A_253 = arith.muli %scan3A_76, %mul3A_252 : i32
        %add3A_254 = arith.constant 256 : i32
        %add3A_255 = arith.addi %mul3A_253, %add3A_254 : i32
        %get3A_256 = arith.index_cast %add3A_255 : i32 to index
        %get3A_257 = tpu.vector_load %arg12[%get3A_256] {strides = array<i32>} : memref<4000xi32, #tpu.memory_space<vmem>>, vector<16xi32>,
        %get3A_258 = arith.index_cast %add3A_255 : i32 to index
        %get3A_259 = tpu.vector_load %arg8[%get3A_258] {strides = array<i32>} : memref<4000xf32, #tpu.memory_space<vmem>>, vector<16xf32>,
        %get3A_260 = arith.index_cast %add3A_255 : i32 to index
        %get3A_261 = tpu.vector_load %arg10[%get3A_260] {strides = array<i32>} : memref<4000xf32, #tpu.memory_space<vmem>>, vector<16xf32>,
        %mul3A_262 = arith.mulf %get3A_259, %get3A_261 : vector<16xf32>
        tpu.vector_store_idx %arg6[%get3A_257], %mul3A_262 {add = true} : memref<100000xf32, #tpu.memory_space<vmem>>[vector<16xi32>], vector<16xf32>,
        %mul3A_263 = arith.constant 400 : i32
        %mul3A_264 = arith.muli %scan3A_76, %mul3A_263 : i32
        %add3A_265 = arith.constant 272 : i32
        %add3A_266 = arith.addi %mul3A_264, %add3A_265 : i32
        %get3A_267 = arith.index_cast %add3A_266 : i32 to index
        %get3A_268 = tpu.vector_load %arg12[%get3A_267] {strides = array<i32>} : memref<4000xi32, #tpu.memory_space<vmem>>, vector<16xi32>,
        %get3A_269 = arith.index_cast %add3A_266 : i32 to index
        %get3A_270 = tpu.vector_load %arg8[%get3A_269] {strides = array<i32>} : memref<4000xf32, #tpu.memory_space<vmem>>, vector<16xf32>,
        %get3A_271 = arith.index_cast %add3A_266 : i32 to index
        %get3A_272 = tpu.vector_load %arg10[%get3A_271] {strides = array<i32>} : memref<4000xf32, #tpu.memory_space<vmem>>, vector<16xf32>,
        %mul3A_273 = arith.mulf %get3A_270, %get3A_272 : vector<16xf32>
        tpu.vector_store_idx %arg6[%get3A_268], %mul3A_273 {add = true} : memref<100000xf32, #tpu.memory_space<vmem>>[vector<16xi32>], vector<16xf32>,
        %mul3A_274 = arith.constant 400 : i32
        %mul3A_275 = arith.muli %scan3A_76, %mul3A_274 : i32
        %add3A_276 = arith.constant 288 : i32
        %add3A_277 = arith.addi %mul3A_275, %add3A_276 : i32
        %get3A_278 = arith.index_cast %add3A_277 : i32 to index
        %get3A_279 = tpu.vector_load %arg12[%get3A_278] {strides = array<i32>} : memref<4000xi32, #tpu.memory_space<vmem>>, vector<16xi32>,
        %get3A_280 = arith.index_cast %add3A_277 : i32 to index
        %get3A_281 = tpu.vector_load %arg8[%get3A_280] {strides = array<i32>} : memref<4000xf32, #tpu.memory_space<vmem>>, vector<16xf32>,
        %get3A_282 = arith.index_cast %add3A_277 : i32 to index
        %get3A_283 = tpu.vector_load %arg10[%get3A_282] {strides = array<i32>} : memref<4000xf32, #tpu.memory_space<vmem>>, vector<16xf32>,
        %mul3A_284 = arith.mulf %get3A_281, %get3A_283 : vector<16xf32>
        tpu.vector_store_idx %arg6[%get3A_279], %mul3A_284 {add = true} : memref<100000xf32, #tpu.memory_space<vmem>>[vector<16xi32>], vector<16xf32>,
        %mul3A_285 = arith.constant 400 : i32
        %mul3A_286 = arith.muli %scan3A_76, %mul3A_285 : i32
        %add3A_287 = arith.constant 304 : i32
        %add3A_288 = arith.addi %mul3A_286, %add3A_287 : i32
        %get3A_289 = arith.index_cast %add3A_288 : i32 to index
        %get3A_290 = tpu.vector_load %arg12[%get3A_289] {strides = array<i32>} : memref<4000xi32, #tpu.memory_space<vmem>>, vector<16xi32>,
        %get3A_291 = arith.index_cast %add3A_288 : i32 to index
        %get3A_292 = tpu.vector_load %arg8[%get3A_291] {strides = array<i32>} : memref<4000xf32, #tpu.memory_space<vmem>>, vector<16xf32>,
        %get3A_293 = arith.index_cast %add3A_288 : i32 to index
        %get3A_294 = tpu.vector_load %arg10[%get3A_293] {strides = array<i32>} : memref<4000xf32, #tpu.memory_space<vmem>>, vector<16xf32>,
        %mul3A_295 = arith.mulf %get3A_292, %get3A_294 : vector<16xf32>
        tpu.vector_store_idx %arg6[%get3A_290], %mul3A_295 {add = true} : memref<100000xf32, #tpu.memory_space<vmem>>[vector<16xi32>], vector<16xf32>,
        %mul3A_296 = arith.constant 400 : i32
        %mul3A_297 = arith.muli %scan3A_76, %mul3A_296 : i32
        %add3A_298 = arith.constant 320 : i32
        %add3A_299 = arith.addi %mul3A_297, %add3A_298 : i32
        %get3A_300 = arith.index_cast %add3A_299 : i32 to index
        %get3A_301 = tpu.vector_load %arg12[%get3A_300] {strides = array<i32>} : memref<4000xi32, #tpu.memory_space<vmem>>, vector<16xi32>,
        %get3A_302 = arith.index_cast %add3A_299 : i32 to index
        %get3A_303 = tpu.vector_load %arg8[%get3A_302] {strides = array<i32>} : memref<4000xf32, #tpu.memory_space<vmem>>, vector<16xf32>,
        %get3A_304 = arith.index_cast %add3A_299 : i32 to index
        %get3A_305 = tpu.vector_load %arg10[%get3A_304] {strides = array<i32>} : memref<4000xf32, #tpu.memory_space<vmem>>, vector<16xf32>,
        %mul3A_306 = arith.mulf %get3A_303, %get3A_305 : vector<16xf32>
        tpu.vector_store_idx %arg6[%get3A_301], %mul3A_306 {add = true} : memref<100000xf32, #tpu.memory_space<vmem>>[vector<16xi32>], vector<16xf32>,
        %mul3A_307 = arith.constant 400 : i32
        %mul3A_308 = arith.muli %scan3A_76, %mul3A_307 : i32
        %add3A_309 = arith.constant 336 : i32
        %add3A_310 = arith.addi %mul3A_308, %add3A_309 : i32
        %get3A_311 = arith.index_cast %add3A_310 : i32 to index
        %get3A_312 = tpu.vector_load %arg12[%get3A_311] {strides = array<i32>} : memref<4000xi32, #tpu.memory_space<vmem>>, vector<16xi32>,
        %get3A_313 = arith.index_cast %add3A_310 : i32 to index
        %get3A_314 = tpu.vector_load %arg8[%get3A_313] {strides = array<i32>} : memref<4000xf32, #tpu.memory_space<vmem>>, vector<16xf32>,
        %get3A_315 = arith.index_cast %add3A_310 : i32 to index
        %get3A_316 = tpu.vector_load %arg10[%get3A_315] {strides = array<i32>} : memref<4000xf32, #tpu.memory_space<vmem>>, vector<16xf32>,
        %mul3A_317 = arith.mulf %get3A_314, %get3A_316 : vector<16xf32>
        tpu.vector_store_idx %arg6[%get3A_312], %mul3A_317 {add = true} : memref<100000xf32, #tpu.memory_space<vmem>>[vector<16xi32>], vector<16xf32>,
        %mul3A_318 = arith.constant 400 : i32
        %mul3A_319 = arith.muli %scan3A_76, %mul3A_318 : i32
        %add3A_320 = arith.constant 352 : i32
        %add3A_321 = arith.addi %mul3A_319, %add3A_320 : i32
        %get3A_322 = arith.index_cast %add3A_321 : i32 to index
        %get3A_323 = tpu.vector_load %arg12[%get3A_322] {strides = array<i32>} : memref<4000xi32, #tpu.memory_space<vmem>>, vector<16xi32>,
        %get3A_324 = arith.index_cast %add3A_321 : i32 to index
        %get3A_325 = tpu.vector_load %arg8[%get3A_324] {strides = array<i32>} : memref<4000xf32, #tpu.memory_space<vmem>>, vector<16xf32>,
        %get3A_326 = arith.index_cast %add3A_321 : i32 to index
        %get3A_327 = tpu.vector_load %arg10[%get3A_326] {strides = array<i32>} : memref<4000xf32, #tpu.memory_space<vmem>>, vector<16xf32>,
        %mul3A_328 = arith.mulf %get3A_325, %get3A_327 : vector<16xf32>
        tpu.vector_store_idx %arg6[%get3A_323], %mul3A_328 {add = true} : memref<100000xf32, #tpu.memory_space<vmem>>[vector<16xi32>], vector<16xf32>,
        %mul3A_329 = arith.constant 400 : i32
        %mul3A_330 = arith.muli %scan3A_76, %mul3A_329 : i32
        %add3A_331 = arith.constant 368 : i32
        %add3A_332 = arith.addi %mul3A_330, %add3A_331 : i32
        %get3A_333 = arith.index_cast %add3A_332 : i32 to index
        %get3A_334 = tpu.vector_load %arg12[%get3A_333] {strides = array<i32>} : memref<4000xi32, #tpu.memory_space<vmem>>, vector<16xi32>,
        %get3A_335 = arith.index_cast %add3A_332 : i32 to index
        %get3A_336 = tpu.vector_load %arg8[%get3A_335] {strides = array<i32>} : memref<4000xf32, #tpu.memory_space<vmem>>, vector<16xf32>,
        %get3A_337 = arith.index_cast %add3A_332 : i32 to index
        %get3A_338 = tpu.vector_load %arg10[%get3A_337] {strides = array<i32>} : memref<4000xf32, #tpu.memory_space<vmem>>, vector<16xf32>,
        %mul3A_339 = arith.mulf %get3A_336, %get3A_338 : vector<16xf32>
        tpu.vector_store_idx %arg6[%get3A_334], %mul3A_339 {add = true} : memref<100000xf32, #tpu.memory_space<vmem>>[vector<16xi32>], vector<16xf32>,
        %mul3A_340 = arith.constant 400 : i32
        %mul3A_341 = arith.muli %scan3A_76, %mul3A_340 : i32
        %add3A_342 = arith.constant 384 : i32
        %add3A_343 = arith.addi %mul3A_341, %add3A_342 : i32
        %get3A_344 = arith.index_cast %add3A_343 : i32 to index
        %get3A_345 = tpu.vector_load %arg12[%get3A_344] {strides = array<i32>} : memref<4000xi32, #tpu.memory_space<vmem>>, vector<16xi32>,
        %get3A_346 = arith.index_cast %add3A_343 : i32 to index
        %get3A_347 = tpu.vector_load %arg8[%get3A_346] {strides = array<i32>} : memref<4000xf32, #tpu.memory_space<vmem>>, vector<16xf32>,
        %get3A_348 = arith.index_cast %add3A_343 : i32 to index
        %get3A_349 = tpu.vector_load %arg10[%get3A_348] {strides = array<i32>} : memref<4000xf32, #tpu.memory_space<vmem>>, vector<16xf32>,
        %mul3A_350 = arith.mulf %get3A_347, %get3A_349 : vector<16xf32>
        tpu.vector_store_idx %arg6[%get3A_345], %mul3A_350 {add = true} : memref<100000xf32, #tpu.memory_space<vmem>>[vector<16xi32>], vector<16xf32>,
      }
      %scan3A_75 = arith.constant 10 : i32
    }
    %scan3A_21 = arith.constant 25 : i32
    "tpu.region"() ({
      %run_scoped3A = tpu.sem_alloc : memref<!tpu.dma_semaphore, #tpu.memory_space<semaphore_mem>>
      %dma_start3A_22 = arith.constant 0 : i32
      %dma_start3A_23 = tpu.memref_slice %arg5[%add3A, %dma_start3A_22] : memref<16x100000xf32, #tpu.memory_space<hbm>> -> memref<1x100000xf32, #tpu.memory_space<hbm>>
      %dma_start3A_24 = tpu.memref_squeeze %dma_start3A_23 : memref<1x100000xf32, #tpu.memory_space<hbm>> -> memref<100000xf32, #tpu.memory_space<hbm>>
      %dma_start3A_25 = arith.constant 0 : i32
      %dma_start3A_26 = tpu.memref_slice %arg5[%add3A, %dma_start3A_25] : memref<16x100000xf32, #tpu.memory_space<hbm>> -> memref<1x100000xf32, #tpu.memory_space<hbm>>
      %dma_start3A_27 = tpu.memref_squeeze %dma_start3A_26 : memref<1x100000xf32, #tpu.memory_space<hbm>> -> memref<100000xf32, #tpu.memory_space<hbm>>
      tpu.enqueue_dma source(%arg6 : memref<100000xf32, #tpu.memory_space<vmem>>) target(%dma_start3A_27 : memref<100000xf32, #tpu.memory_space<hbm>>) target_semaphore(%run_scoped3A : memref<!tpu.dma_semaphore, #tpu.memory_space<semaphore_mem>>)
      %dma_wait3A = arith.constant 0 : i32
      %dma_wait3A_28 = tpu.memref_slice %arg5[%add3A, %dma_wait3A] : memref<16x100000xf32, #tpu.memory_space<hbm>> -> memref<1x100000xf32, #tpu.memory_space<hbm>>
      %dma_wait3A_29 = tpu.memref_squeeze %dma_wait3A_28 : memref<1x100000xf32, #tpu.memory_space<hbm>> -> memref<100000xf32, #tpu.memory_space<hbm>>
      %dma_wait3A_30 = arith.constant 0 : i32
      %dma_wait3A_31 = tpu.memref_slice %arg5[%add3A, %dma_wait3A_30] : memref<16x100000xf32, #tpu.memory_space<hbm>> -> memref<1x100000xf32, #tpu.memory_space<hbm>>
      %dma_wait3A_32 = tpu.memref_squeeze %dma_wait3A_31 : memref<1x100000xf32, #tpu.memory_space<hbm>> -> memref<100000xf32, #tpu.memory_space<hbm>>
      tpu.wait_dma2 semaphore(%run_scoped3A : memref<!tpu.dma_semaphore, #tpu.memory_space<semaphore_mem>>) src(%arg6 : memref<100000xf32, #tpu.memory_space<vmem>>) dst(%dma_wait3A_32 : memref<100000xf32, #tpu.memory_space<hbm>>)
      tpu.yield
    }) : () -> ()
    return
  }
}

module attributes {stable_mosaic.version = 14 : i64} {
  func.func @_dense_body(%arg0: i32, %arg1: memref<1x8x12500xf32, #tpu.memory_space<vmem>>, %arg2: memref<8x12500xf32, #tpu.memory_space<vmem>>, %arg3: memref<8x12500xf32, #tpu.memory_space<vmem>>, %arg4: memref<8x12500xf32, #tpu.memory_space<vmem>>, %arg5: memref<8x12500xf32, #tpu.memory_space<vmem>>, %arg6: memref<8x12500xf32, #tpu.memory_space<vmem>>, %arg7: memref<8x12500xf32, #tpu.memory_space<vmem>>, %arg8: memref<8x12500xf32, #tpu.memory_space<vmem>>, %arg9: memref<8x12500xf32, #tpu.memory_space<vmem>>) attributes {dimension_semantics = [#tpu.dimension_semantics<arbitrary>], iteration_bounds = array<i64: 16>, scalar_prefetch = 0 : i64, scratch_operands = 1 : i64, tpu.core_type = #tpu.core_type<tc>, window_params = [{transform_indices = @transform_0, window_bounds = array<i64: 1, 8, 12500>}, {pipeline_mode = #tpu.pipeline_mode<synchronous>, transform_indices = @transform_1, window_bounds = array<i64: 8, 12500>}, {pipeline_mode = #tpu.pipeline_mode<synchronous>, transform_indices = @transform_2, window_bounds = array<i64: 8, 12500>}, {pipeline_mode = #tpu.pipeline_mode<synchronous>, transform_indices = @transform_3, window_bounds = array<i64: 8, 12500>}, {pipeline_mode = #tpu.pipeline_mode<synchronous>, transform_indices = @transform_4, window_bounds = array<i64: 8, 12500>}, {pipeline_mode = #tpu.pipeline_mode<synchronous>, transform_indices = @transform_5, window_bounds = array<i64: 8, 12500>}, {pipeline_mode = #tpu.pipeline_mode<synchronous>, transform_indices = @transform_6, window_bounds = array<i64: 8, 12500>}, {pipeline_mode = #tpu.pipeline_mode<synchronous>, transform_indices = @transform_7, window_bounds = array<i64: 8, 12500>}]} {
    %eq3A = arith.constant 0 : i32
    %eq3A_0 = arith.cmpi eq, %arg0, %eq3A : i32
    %convert_element_type3A = arith.extui %eq3A_0 : i1 to i32
    %cond3A = arith.constant 0 : i32
    %cond3A_1 = arith.cmpi ne, %convert_element_type3A, %cond3A : i32
    scf.if %cond3A_1 {
      %get3A = arith.constant 0 : index
      %get3A_11 = arith.constant 0 : index
      %get3A_12 = arith.constant 0 : index
      %get3A_13 = vector.load %arg1[%get3A, %get3A_11, %get3A_12] : memref<1x8x12500xf32, #tpu.memory_space<vmem>>, vector<1x8x12500xf32>
      %get3A_14 = vector.shape_cast %get3A_13 : vector<1x8x12500xf32> to vector<8x12500xf32>
      %swap3A = arith.constant 0 : index
      %swap3A_15 = arith.constant 0 : index
      %swap3A_16 = vector.load %arg9[%swap3A, %swap3A_15] : memref<8x12500xf32, #tpu.memory_space<vmem>>, vector<8x12500xf32>
      tpu.vector_store %arg9[%swap3A, %swap3A_15], %get3A_14 {strides = array<i32>} : memref<8x12500xf32, #tpu.memory_space<vmem>>, vector<8x12500xf32>,
    } else {
    }
    %gt3A = arith.constant 0 : i32
    %gt3A_2 = arith.cmpi sgt, %arg0, %gt3A : i32
    %convert_element_type3A_3 = arith.extui %gt3A_2 : i1 to i32
    %cond3A_4 = arith.constant 0 : i32
    %cond3A_5 = arith.cmpi ne, %convert_element_type3A_3, %cond3A_4 : i32
    scf.if %cond3A_5 {
      %get3A = arith.constant 0 : index
      %get3A_11 = arith.constant 0 : index
      %get3A_12 = vector.load %arg9[%get3A, %get3A_11] : memref<8x12500xf32, #tpu.memory_space<vmem>>, vector<8x12500xf32>
      %get3A_13 = arith.constant 0 : index
      %get3A_14 = arith.constant 0 : index
      %get3A_15 = arith.constant 0 : index
      %get3A_16 = vector.load %arg1[%get3A_13, %get3A_14, %get3A_15] : memref<1x8x12500xf32, #tpu.memory_space<vmem>>, vector<1x8x12500xf32>
      %get3A_17 = vector.shape_cast %get3A_16 : vector<1x8x12500xf32> to vector<8x12500xf32>
      %add3A = arith.addf %get3A_12, %get3A_17 : vector<8x12500xf32>
      %swap3A = arith.constant 0 : index
      %swap3A_18 = arith.constant 0 : index
      %swap3A_19 = vector.load %arg9[%swap3A, %swap3A_18] : memref<8x12500xf32, #tpu.memory_space<vmem>>, vector<8x12500xf32>
      tpu.vector_store %arg9[%swap3A, %swap3A_18], %add3A {strides = array<i32>} : memref<8x12500xf32, #tpu.memory_space<vmem>>, vector<8x12500xf32>,
    } else {
    }
    %eq3A_6 = arith.constant 15 : i32
    %eq3A_7 = arith.cmpi eq, %arg0, %eq3A_6 : i32
    %convert_element_type3A_8 = arith.extui %eq3A_7 : i1 to i32
    %cond3A_9 = arith.constant 0 : i32
    %cond3A_10 = arith.cmpi ne, %convert_element_type3A_8, %cond3A_9 : i32
    scf.if %cond3A_10 {
      %get3A = arith.constant 0 : index
      %get3A_11 = arith.constant 0 : index
      %get3A_12 = vector.load %arg9[%get3A, %get3A_11] : memref<8x12500xf32, #tpu.memory_space<vmem>>, vector<8x12500xf32>
      %get3A_13 = arith.constant 0 : index
      %get3A_14 = arith.constant 0 : index
      %get3A_15 = vector.load %arg3[%get3A_13, %get3A_14] : memref<8x12500xf32, #tpu.memory_space<vmem>>, vector<8x12500xf32>
      %get3A_16 = arith.constant 0 : index
      %get3A_17 = arith.constant 0 : index
      %get3A_18 = vector.load %arg4[%get3A_16, %get3A_17] : memref<8x12500xf32, #tpu.memory_space<vmem>>, vector<8x12500xf32>
      %sub3A = arith.constant 0.000000e+00 : f32
      %sub3A_19 = vector.broadcast %sub3A : f32 to vector<8x12500xf32>
      %sub3A_20 = arith.subf %sub3A_19, %get3A_15 : vector<8x12500xf32>
      %mul3A = arith.constant 0.00980198663 : f32
      %mul3A_21 = vector.broadcast %mul3A : f32 to vector<8x12500xf32>
      %mul3A_22 = arith.mulf %mul3A_21, %sub3A_20 : vector<8x12500xf32>
      %mul3A_23 = arith.mulf %mul3A_22, %get3A_12 : vector<8x12500xf32>
      %sub3A_24 = arith.constant -7.000000e+01 : f32
      %sub3A_25 = vector.broadcast %sub3A_24 : f32 to vector<8x12500xf32>
      %sub3A_26 = arith.subf %sub3A_25, %get3A_15 : vector<8x12500xf32>
      %mul3A_27 = arith.constant 5.000000e-02 : f32
      %mul3A_28 = vector.broadcast %mul3A_27 : f32 to vector<8x12500xf32>
      %mul3A_29 = arith.mulf %mul3A_28, %sub3A_26 : vector<8x12500xf32>
      %sub3A_30 = arith.subf %get3A_18, %get3A_15 : vector<8x12500xf32>
      %mul3A_31 = arith.constant 1.000000e-01 : f32
      %mul3A_32 = vector.broadcast %mul3A_31 : f32 to vector<8x12500xf32>
      %mul3A_33 = arith.mulf %mul3A_32, %sub3A_30 : vector<8x12500xf32>
      %add3A = arith.addf %mul3A_29, %mul3A_33 : vector<8x12500xf32>
      %add3A_34 = arith.addf %add3A, %mul3A_23 : vector<8x12500xf32>
      %get3A_35 = arith.constant 0 : index
      %get3A_36 = arith.constant 0 : index
      %get3A_37 = vector.load %arg2[%get3A_35, %get3A_36] : memref<8x12500xf32, #tpu.memory_space<vmem>>, vector<8x12500xf32>
      %add3A_38 = arith.addf %add3A_34, %get3A_37 : vector<8x12500xf32>
      %div3A = arith.constant 1.000000e+00 : f32
      %div3A_39 = vector.broadcast %div3A : f32 to vector<8x12500xf32>
      %div3A_40 = arith.divf %add3A_38, %div3A_39 : vector<8x12500xf32>
      %mul3A_41 = arith.constant 9.99999974E-5 : f32
      %mul3A_42 = vector.broadcast %mul3A_41 : f32 to vector<8x12500xf32>
      %mul3A_43 = arith.mulf %mul3A_42, %div3A_40 : vector<8x12500xf32>
      %add3A_44 = arith.addf %get3A_15, %mul3A_43 : vector<8x12500xf32>
      %sub3A_45 = arith.constant -5.000000e+01 : f32
      %sub3A_46 = vector.broadcast %sub3A_45 : f32 to vector<8x12500xf32>
      %sub3A_47 = arith.subf %get3A_18, %sub3A_46 : vector<8x12500xf32>
      %div3A_48 = arith.constant 2.000000e+00 : f32
      %div3A_49 = vector.broadcast %div3A_48 : f32 to vector<8x12500xf32>
      %div3A_50 = arith.divf %sub3A_47, %div3A_49 : vector<8x12500xf32>
      %jit3A = arith.constant -3.000000e+01 : f32
      %jit3A_51 = arith.constant 3.000000e+01 : f32
      %max3A = vector.broadcast %jit3A : f32 to vector<8x12500xf32>
      %max3A_52 = arith.maximumf %max3A, %div3A_50 : vector<8x12500xf32>
      %min3A = vector.broadcast %jit3A_51 : f32 to vector<8x12500xf32>
      %min3A_53 = arith.minimumf %min3A, %max3A_52 : vector<8x12500xf32>
      %exp3A = math.exp %min3A_53 : vector<8x12500xf32>
      %mul3A_54 = arith.constant 1.000000e-01 : f32
      %mul3A_55 = vector.broadcast %mul3A_54 : f32 to vector<8x12500xf32>
      %mul3A_56 = arith.mulf %mul3A_55, %exp3A : vector<8x12500xf32>
      %sub3A_57 = arith.constant -7.000000e+01 : f32
      %sub3A_58 = vector.broadcast %sub3A_57 : f32 to vector<8x12500xf32>
      %sub3A_59 = arith.subf %sub3A_58, %get3A_18 : vector<8x12500xf32>
      %mul3A_60 = arith.constant 5.000000e-02 : f32
      %mul3A_61 = vector.broadcast %mul3A_60 : f32 to vector<8x12500xf32>
      %mul3A_62 = arith.mulf %mul3A_61, %sub3A_59 : vector<8x12500xf32>
      %add3A_63 = arith.addf %mul3A_62, %mul3A_56 : vector<8x12500xf32>
      %sub3A_64 = arith.subf %add3A_44, %get3A_18 : vector<8x12500xf32>
      %mul3A_65 = arith.constant 1.000000e-01 : f32
      %mul3A_66 = vector.broadcast %mul3A_65 : f32 to vector<8x12500xf32>
      %mul3A_67 = arith.mulf %mul3A_66, %sub3A_64 : vector<8x12500xf32>
      %add3A_68 = arith.addf %add3A_63, %mul3A_67 : vector<8x12500xf32>
      %div3A_69 = arith.constant 5.000000e-01 : f32
      %div3A_70 = vector.broadcast %div3A_69 : f32 to vector<8x12500xf32>
      %div3A_71 = arith.divf %add3A_68, %div3A_70 : vector<8x12500xf32>
      %mul3A_72 = arith.constant 9.99999974E-5 : f32
      %mul3A_73 = vector.broadcast %mul3A_72 : f32 to vector<8x12500xf32>
      %mul3A_74 = arith.mulf %mul3A_73, %div3A_71 : vector<8x12500xf32>
      %add3A_75 = arith.addf %get3A_18, %mul3A_74 : vector<8x12500xf32>
      %get3A_76 = arith.constant 0 : index
      %get3A_77 = arith.constant 0 : index
      %get3A_78 = vector.load %arg5[%get3A_76, %get3A_77] : memref<8x12500xf32, #tpu.memory_space<vmem>>, vector<8x12500xf32>
      %gt3A_79 = arith.constant 0.000000e+00 : f32
      %gt3A_80 = vector.broadcast %gt3A_79 : f32 to vector<8x12500xf32>
      %gt3A_81 = arith.cmpf ogt, %get3A_78, %gt3A_80 : vector<8x12500xf32>
      %jit3A_82 = arith.constant -6.000000e+01 : f32
      %broadcast_in_dim3A = vector.broadcast %jit3A_82 : f32 to vector<8x12500xf32>
      %select_n3A = arith.select %gt3A_81, %broadcast_in_dim3A, %add3A_75 : vector<8x12500xi1>, vector<8x12500xf32>
      %ge3A = arith.constant 2.000000e+01 : f32
      %ge3A_83 = vector.broadcast %ge3A : f32 to vector<8x12500xf32>
      %ge3A_84 = arith.cmpf oge, %select_n3A, %ge3A_83 : vector<8x12500xf32>
      %convert_element_type3A_85 = arith.extui %ge3A_84 : vector<8x12500xi1> to vector<8x12500xi32>
      %convert_element_type3A_86 = arith.sitofp %convert_element_type3A_85 : vector<8x12500xi32> to vector<8x12500xf32>
      %sub3A_87 = arith.constant 2.000000e+01 : f32
      %sub3A_88 = vector.broadcast %sub3A_87 : f32 to vector<8x12500xf32>
      %sub3A_89 = arith.subf %select_n3A, %sub3A_88 : vector<8x12500xf32>
      %mul3A_90 = arith.constant -4.000000e+00 : f32
      %mul3A_91 = vector.broadcast %mul3A_90 : f32 to vector<8x12500xf32>
      %mul3A_92 = arith.mulf %mul3A_91, %sub3A_89 : vector<8x12500xf32>
      %exp3A_93 = math.exp %mul3A_92 : vector<8x12500xf32>
      %add3A_94 = arith.constant 1.000000e+00 : f32
      %add3A_95 = vector.broadcast %add3A_94 : f32 to vector<8x12500xf32>
      %add3A_96 = arith.addf %add3A_95, %exp3A_93 : vector<8x12500xf32>
      %div3A_97 = arith.constant 1.000000e+00 : f32
      %div3A_98 = vector.broadcast %div3A_97 : f32 to vector<8x12500xf32>
      %div3A_99 = arith.divf %div3A_98, %add3A_96 : vector<8x12500xf32>
      %sub3A_100 = arith.subf %convert_element_type3A_86, %div3A_99 : vector<8x12500xf32>
      %add3A_101 = arith.addf %div3A_99, %sub3A_100 : vector<8x12500xf32>
      %swap3A = arith.constant 0 : index
      %swap3A_102 = arith.constant 0 : index
      %swap3A_103 = vector.load %arg6[%swap3A, %swap3A_102] : memref<8x12500xf32, #tpu.memory_space<vmem>>, vector<8x12500xf32>
      tpu.vector_store %arg6[%swap3A, %swap3A_102], %add3A_101 {strides = array<i32>} : memref<8x12500xf32, #tpu.memory_space<vmem>>, vector<8x12500xf32>,
      %swap3A_104 = arith.constant 0 : index
      %swap3A_105 = arith.constant 0 : index
      %swap3A_106 = vector.load %arg7[%swap3A_104, %swap3A_105] : memref<8x12500xf32, #tpu.memory_space<vmem>>, vector<8x12500xf32>
      tpu.vector_store %arg7[%swap3A_104, %swap3A_105], %add3A_44 {strides = array<i32>} : memref<8x12500xf32, #tpu.memory_space<vmem>>, vector<8x12500xf32>,
      %gt3A_107 = arith.constant 5.000000e-01 : f32
      %gt3A_108 = vector.broadcast %gt3A_107 : f32 to vector<8x12500xf32>
      %gt3A_109 = arith.cmpf ogt, %convert_element_type3A_86, %gt3A_108 : vector<8x12500xf32>
      %jit3A_110 = arith.constant -6.000000e+01 : f32
      %broadcast_in_dim3A_111 = vector.broadcast %jit3A_110 : f32 to vector<8x12500xf32>
      %select_n3A_112 = arith.select %gt3A_109, %broadcast_in_dim3A_111, %select_n3A : vector<8x12500xi1>, vector<8x12500xf32>
      %swap3A_113 = arith.constant 0 : index
      %swap3A_114 = arith.constant 0 : index
      %swap3A_115 = vector.load %arg8[%swap3A_113, %swap3A_114] : memref<8x12500xf32, #tpu.memory_space<vmem>>, vector<8x12500xf32>
      tpu.vector_store %arg8[%swap3A_113, %swap3A_114], %select_n3A_112 {strides = array<i32>} : memref<8x12500xf32, #tpu.memory_space<vmem>>, vector<8x12500xf32>,
    } else {
    }
    return
  }
  func.func @transform_0(%arg0: i32) -> (i32, i32, i32) {
    %c0_i32 = arith.constant 0 : i32
    %c0_i32_0 = arith.constant 0 : i32
    %c0_i32_1 = arith.constant 0 : i32
    return %arg0, %c0_i32, %c0_i32_0 : i32, i32, i32
  }
  func.func @transform_1(%arg0: i32) -> (i32, i32) {
    %c0_i32 = arith.constant 0 : i32
    %c0_i32_0 = arith.constant 0 : i32
    %c0_i32_1 = arith.constant 0 : i32
    return %c0_i32, %c0_i32_0 : i32, i32
  }
  func.func @transform_2(%arg0: i32) -> (i32, i32) {
    %c0_i32 = arith.constant 0 : i32
    %c0_i32_0 = arith.constant 0 : i32
    %c0_i32_1 = arith.constant 0 : i32
    return %c0_i32, %c0_i32_0 : i32, i32
  }
  func.func @transform_3(%arg0: i32) -> (i32, i32) {
    %c0_i32 = arith.constant 0 : i32
    %c0_i32_0 = arith.constant 0 : i32
    %c0_i32_1 = arith.constant 0 : i32
    return %c0_i32, %c0_i32_0 : i32, i32
  }
  func.func @transform_4(%arg0: i32) -> (i32, i32) {
    %c0_i32 = arith.constant 0 : i32
    %c0_i32_0 = arith.constant 0 : i32
    %c0_i32_1 = arith.constant 0 : i32
    return %c0_i32, %c0_i32_0 : i32, i32
  }
  func.func @transform_5(%arg0: i32) -> (i32, i32) {
    %c0_i32 = arith.constant 0 : i32
    %c0_i32_0 = arith.constant 0 : i32
    %c0_i32_1 = arith.constant 0 : i32
    return %c0_i32, %c0_i32_0 : i32, i32
  }
  func.func @transform_6(%arg0: i32) -> (i32, i32) {
    %c0_i32 = arith.constant 0 : i32
    %c0_i32_0 = arith.constant 0 : i32
    %c0_i32_1 = arith.constant 0 : i32
    return %c0_i32, %c0_i32_0 : i32, i32
  }
  func.func @transform_7(%arg0: i32) -> (i32, i32) {
    %c0_i32 = arith.constant 0 : i32
    %c0_i32_0 = arith.constant 0 : i32
    %c0_i32_1 = arith.constant 0 : i32
    return %c0_i32, %c0_i32_0 : i32, i32
  }
}

</mosaic_0001>

<sc_bundles>
// kernel: kernel.4.cloned.1.call-start
scs
__scs_entry_jumppad:
0x0: {  	(pc) =	sbr.rel $0x88, $3  }
0x1: {  	(tag) =	ssettag $0x0;
	lr =	simm.s32 $0x1  }
0x2: {  	[smem:$0x3F9A] =	sst lr;
	_ =	strace $0xD0000000  }
0x3: {  	_ = 	snop  }
0x4: {  	_ = 	snop  }
0x5: {  	_ = 	snop  }
0x6: {  	_ = 	snop  }
0x7: {  	_ = 	snop  }
__scs_overlays_trampoline_lowered:
0x8: {  	[smem:$0x3FA9] =	sst s0  }
0x9: {  	[smem:$0x3FAA] =	sst s1  }
0xa: {  	[smem:$0x3FAB] =	sst s2  }
0xb: {  	[smem:$0x3FAC] =	sst s3  }
0xc: {  	[smem:$0x3FAD] =	sst s4  }
0xd: {  	[smem:$0x3FAE] =	sst s5  }
0xe: {  	[smem:$0x3FAF] =	sst s6  }
0xf: {  	[smem:$0x3FB0] =	sst s7  }
0x10: {  	[smem:$0x3FB1] =	sst s8  }
0x11: {  	[smem:$0x3FB2] =	sst s9;
	s0 =	simm.s32 @!p0 $0x0  }
0x12: {  	s1 =	sld [smem:$0x3F98];
	s0 =	simm.s32 @p0 $0x1  }
0x13: {  	[smem:$0x3FB3] =	sst s0;
	s0 =	simm.s32 @!p1 $0x0  }
0x14: {  	s2 =	sld [smem:$0x3F97];
	s0 =	simm.s32 @p1 $0x1  }
0x15: {  	[smem:$0x3FB4] =	sst s0;
	s0 =	simm.s32 @!p2 $0x0  }
0x16: {  	s3 =	sld [smem:$0x3FDB];
	s0 =	simm.s32 @p2 $0x1  }
0x17: {  	s4 =	simm.s32 $0x1BF5;
	[smem:$0x3FB6] =	sst s0  }
0x18: {  	s0 =	sld [smem:$0x3F99];
	_ =	swait.ge [sflag:s4], $0x0  }
0x19: {  	s7 =	sld [smem:$0x3F9A]  }
0x1a: {  	s8 =	sadd.s32 $0xFFFFE003, lr  }
0x1b: {  	s9 =	sadd.s32 $0xFFFFFEF7, lr;
	s5 =	simm.s32 $0xFFFFFFFF;
	p2 =	slt.u32 s8, $0xFFFFF086  }
0x1c: {  	p1 =	slt.u32 s9, $0xF7A;
	s5 =	simm.s32 @!p2 $0x0  }
0x1d: {  	s5 =	simm.s32 @p1 $0x1;
	p0 =	seq.s32 s7, s2  }
0x1e: {  	s7 =	smul.u32 @!p0 $0xF7A, s2;
	p2 =	seq.s32 @!p0 s5, $0x0  }
0x1f: {  	s9 =	smul.u32 $0xF7A, s1;
	s8 =	simm.s32 @!p0 $0x1BF5;
	p2 =	por !p2, p0  }
0x20: {  	[sflag:s8] =	ssyncset.s32 @!p0 $0xFFFFF086;
	s6 =	sadd.s32 @!p0 s3, s7;
	s7 =	simm.s32 @!p0 $0x108  }
0x21: {  	s3 =	sadd.s32 s3, s9;
	s6 =	sadd.s32 @!p0 $0x88, s6;
	s7 =	simm.s32 @p2 $0x1082  }
0x22: {  	[simem:s7], [sflag:s8] =	dma.local @!p0 [hbm:s6], $0xF7A  }
0x23: {  	s9 =	sor.u32 $0xD0000000, s2;
	s6 =	simm.s32 $0x108;
	_ =	swait.ge @!p0 [sflag:s8], $0x0  }
0x24: {  	s3 =	sadd.s32 $0x88, s3;
	s6 =	simm.s32 @!p1 $0x1082;
	[sflag:s4] =	ssyncset.s32 $0xFFFFF086  }
0x25: {  	[simem:s6], [sflag:s4] =	dma.local [hbm:s3], $0xF7A  }
0x26: {  	[smem:$0x3F9A] =	sst s1;
	(tag) =	ssettag s2;
	_ =	strace s9  }
0x27: {  	s1 =	sld [smem:$0x3FAA]  }
0x28: {  	s2 =	sld [smem:$0x3FAB]  }
0x29: {  	s4 =	sld [smem:$0x3FAD]  }
0x2a: {  	p0 =	seq.s32 s5, $0x0;
	s5 =	sld [smem:$0x3FAE]  }
0x2b: {  	s6 =	sld [smem:$0x3FAF]  }
0x2c: {  	s7 =	sld [smem:$0x3FB0]  }
0x2d: {  	s3 =	simm.s32 $0x108;
	s8 =	sld [smem:$0x3FB1]  }
0x2e: {  	s3 =	simm.s32 @!p0 $0x1082;
	s9 =	sld [smem:$0x3FB2]  }
0x2f: {  	lr =	sadd.s32 s0, s3;
	s0 =	sld [smem:$0x3FA9]  }
0x30: {  	s3 =	sld [smem:$0x3FAC]  }
0x31: {  	[smem:$0x3FB5] =	sst s10  }
0x32: {  	s10 =	sld [smem:$0x3FB3];
	_ =	sdelay $0x3  }
0x33: {  	p0 =	seq.s32 s10, $0x1;
	s10 =	sld [smem:$0x3FB5];
	_ =	sdelay $0x3  }
0x34: {  	[smem:$0x3FB5] =	sst s10  }
0x35: {  	s10 =	sld [smem:$0x3FB4];
	_ =	sdelay $0x3  }
0x36: {  	p1 =	seq.s32 s10, $0x1;
	s10 =	sld [smem:$0x3FB5];
	_ =	sdelay $0x3  }
0x37: {  	[smem:$0x3FB5] =	sst s10  }
0x38: {  	s10 =	sld [smem:$0x3FB6]  }
0x39: {  	_ = 	snop;
	(pc) =	sbr.ind lr, $3  }
0x3a: {  	_ = 	snop  }
0x3b: {  	_ = 	snop  }
0x3c: {  	p2 =	seq.s32 s10, $0x1;
	s10 =	sld [smem:$0x3FB5]  }
0x3d: {  	_ =	shalt  }
0x3e: {  	_ =	shalt  }
0x3f: {  	_ =	shalt  }
0x40: {  	_ =	shalt  }
0x41: {  	_ =	shalt  }
0x42: {  	_ =	shalt  }
0x43: {  	_ =	shalt  }
0x44: {  	_ =	shalt  }
0x45: {  	_ =	shalt  }
0x46: {  	_ =	shalt  }
0x47: {  	_ =	shalt  }
0x48: {  	_ =	shalt  }
0x49: {  	_ =	shalt  }
0x4a: {  	_ =	shalt  }
0x4b: {  	_ =	shalt  }
0x4c: {  	_ =	shalt  }
0x4d: {  	_ =	shalt  }
0x4e: {  	_ =	shalt  }
0x4f: {  	_ =	shalt  }
0x50: {  	_ =	shalt  }
0x51: {  	_ =	shalt  }
0x52: {  	_ =	shalt  }
0x53: {  	_ =	shalt  }
0x54: {  	_ =	shalt  }
0x55: {  	_ =	shalt  }
0x56: {  	_ =	shalt  }
0x57: {  	_ =	shalt  }
0x58: {  	_ =	shalt  }
0x59: {  	_ =	shalt  }
0x5a: {  	_ =	shalt  }
0x5b: {  	_ =	shalt  }
0x5c: {  	_ =	shalt  }
0x5d: {  	_ =	shalt  }
0x5e: {  	_ =	shalt  }
0x5f: {  	_ =	shalt  }
0x60: {  	_ =	shalt  }
0x61: {  	_ =	shalt  }
0x62: {  	_ =	shalt  }
0x63: {  	_ =	shalt  }
0x64: {  	_ =	shalt  }
0x65: {  	_ =	shalt  }
0x66: {  	_ =	shalt  }
0x67: {  	_ =	shalt  }
0x68: {  	_ =	shalt  }
0x69: {  	_ =	shalt  }
0x6a: {  	_ =	shalt  }
0x6b: {  	_ =	shalt  }
0x6c: {  	_ =	shalt  }
0x6d: {  	_ =	shalt  }
0x6e: {  	_ =	shalt  }
0x6f: {  	_ =	shalt  }
0x70: {  	_ =	shalt  }
0x71: {  	_ =	shalt  }
0x72: {  	_ =	shalt  }
0x73: {  	_ =	shalt  }
0x74: {  	_ =	shalt  }
0x75: {  	_ =	shalt  }
0x76: {  	_ =	shalt  }
0x77: {  	_ =	shalt  }
0x78: {  	_ =	shalt  }
0x79: {  	_ =	shalt  }
0x7a: {  	_ =	shalt  }
0x7b: {  	_ =	shalt  }
0x7c: {  	_ =	shalt  }
0x7d: {  	_ =	shalt  }
0x7e: {  	_ =	shalt  }
0x7f: {  	_ =	shalt  }
0x80: {  	_ =	shalt  }
0x81: {  	_ =	shalt  }
0x82: {  	_ =	shalt  }
0x83: {  	_ =	shalt  }
0x84: {  	_ =	shalt  }
0x85: {  	_ =	shalt  }
0x86: {  	_ =	shalt  }
0x87: {  	_ =	shalt  }
.Lfunc_end0:
.L_simem_size_0:
called_computation_lowered:
.L_overlay_start_0:
0x88: {  	s0 =	sld [smem:$0x3FD9]  }
0x89: {  	s1 =	sld [smem:$0x3FFE];
	_ =	sdelay $0x3  }
0x8a: {  	s0 =	sadd.s32 s1, s0  }
0x8b: {  	[smem:$0x3FC1] =	sst s0  }
0x8c: {  	_ = 	snop  }
0x8d: {  	s0 =	sld [smem:$0x3FC5]  }
0x8e: {  	s16 =	sld [smem:$0x3FC4]  }
0x8f: {  	s2 =	sld [smem:$0x3FC3];
	(tm) =	ssettm $0x1  }
0x90: {  	s3 =	sld [smem:$0x3FFB];
	_ =	sdelay $0x3  }
0x91: {  	_ =	strace s3  }
0x92: {  	s3 =	sld [smem:$0x3FFC];
	_ =	sdelay $0x3  }
0x93: {  	_ =	strace s3  }
0x94: {  	s3 =	sld [smem:$0x3FFD];
	_ =	sdelay $0x3  }
0x95: {  	_ =	strace s3  }
0x96: {  	_ =	strace $0x8FFFFFFF  }
0x97: {  	s17 =	sld [smem:$0x3FDB];
	_ =	sdelay $0x1  }
0x98: {  	s4 =	simm.s32 $_scs_section_size  }
0x99: {  	s5 =	simm.s32 $_size__tile_overlayer_lowered;
	s6 =	simm.s32 $_tile_overlayer_lowered  }
0x9a: {  	s20 =	simm.s32 $0x1BFF;
	s19 =	sshll.u32 s6, $0x1;
	s3 =	sadd.s32 s4, s17  }
0x9b: {  	s7 =	simm.s32 $0x0;
	s18 =	sshll.u32 s5, $0x1;
	s5 =	sadd.s32 s19, s3  }
0x9c: {  	[timem:s7], [sflag:s20] =	dma.local [hbm:s5], s18  }
0x9d: {  	_ =	swait.ge [sflag:s20], s18  }
0x9e: {  	s4 =	ssub.s32 $0x0, s18;
	[sflag:s20] =	ssyncset.done $0x0  }
0x9f: {  	[sflag:s20] =	ssyncadd.s32 s4;
	_ =	sdelay $0x1  }
0xa0: {  	s21 =	simm.s32 $0x1B8B  }
0xa1: {  	_ =	swait.ge [sflag:s21], $0x1  }
0xa2: {  	[sflag:s21] =	ssyncset.done $0x0  }
0xa3: {  	s23 =	simm.s32 $0x1B8E;
	s22 =	sld [smem:$0x3FFE];
	[sflag:s21] =	ssyncadd.s32 $0xFFFFFFFF  }
0xa4: {  	s24 =	simm.s32 $execute0_lowered;
	[smem:$0x3FD2] =	sst s23  }
0xa5: {  	s5 =	sshll.u32 s24, $0x1;
	_ =	strace $0x80000046;
	[dreg:$0x1] =	wrdreg $0xFFFFFFFF  }
0xa6: {  	s25 =	simm.s32 $_size_execute0_lowered;
	s3 =	sadd.s32 s3, s5;
	[dreg:$0x0] =	wrdreg $0x0  }
0xa7: {  	s5 =	sshll.u32 s25, $0x1;
	[dreg:$0x2] =	wrdreg s3  }
0xa8: {  	[dreg:$0x3] =	wrdreg s5  }
0xa9: {  	[dreg:$0x4] =	wrdreg $0xC0  }
0xaa: {  	_ =	task [dreg:s7], $0x5FFFF  }
0xab: {  	[dreg:$0x1] =	wrdreg $0xFFFFFFFF  }
0xac: {  	[dreg:$0x0] =	wrdreg $0x60  }
0xad: {  	[dreg:$0x2] =	wrdreg s0  }
0xae: {  	[dreg:$0x3] =	wrdreg s16  }
0xaf: {  	[dreg:$0x4] =	wrdreg s2  }
0xb0: {  	[dreg:$0x5] =	wrdreg s22  }
0xb1: {  	[dreg:$0x6] =	wrdreg $0x9  }
0xb2: {  	_ =	task.clear_ibuf [dreg:s7], $0x7FFFF;
	_ =	strace $0x90000046  }
0xb3: {  	s26 =	simm.s32 $0x9;
	_ =	strace $0x80000048  }
0xb4: {  	_ =	swait.ge [sflag:s26], $0x1  }
0xb5: {  	[sflag:s26] =	ssyncadd.s32 $0xFFFFFFFF  }
0xb6: {  	_ =	strace $0x90000048  }
0xb7: {  	_ =	sfence  }
0xb8: {  	s28 =	sld [smem:$0x0];
	_ =	sdelay $0x1  }
0xb9: {  	s29 =	srdreg.scid  }
0xba: {  	s30 =	sshll.u32 s29, $0xD;
	s31 =	sshrl.u32 s29, $0x2  }
0xbb: {  	s1 =	sand.u32 $0x1, s29;
	s2 =	sand.u32 $0x4000, s30;
	s0 =	sadd.s32 s31, s28  }
0xbc: {  	s1 =	sor.u32 s2, s1;
	s0 =	sshll.u32 s0, $0x11  }
0xbd: {  	s0 =	sor.u32 s0, s1  }
0xbe: {  	s0 =	sadd.s32 $0x8F2B, s0  }
0xbf: {  	[sflag:s0] =	ssyncadd.remote.s32 $0x1  }
0xc0: {  	_ =	sfence.sel $0xFFFF  }
0xc1: {  	[dreg:$0x0] =	wrdreg $0xFFFFFFFF;
	(pc) =	sbr.abs _section_cstart, $3  }
0xc2: {  	[dreg:$0x1] =	wrdreg $0xFFFFFFFF  }
0xc3: {  	_ =	task.clear_ibuf [dreg:s7], $0x2FFFF;
	_ =	strace $0x9FFFFFFF  }
0xc4: {  	(tm) =	ssettm $0x7FFFFFFF  }
0xc5: {  	_ =	shalt  }
tec
execute0_lowered:
.L_overlay_start_1:
0x0: {  	(tag) =	ssettag $0x1  }
0x1: {  	s2 =	rddreg [dreg:$0x0]  }
0x2: {  	s3 =	rddreg [dreg:$0x1]  }
0x3: {  	s4 =	rddreg [dreg:$0x2];
	s0 =	stileid.u32  }
0x4: {  	s5 =	rddreg [dreg:$0x3];
	s7 =	smul.u32 $0x30D40, s0  }
0x5: {  	s1 =	rddreg [dreg:$0x4];
	s6 =	simm.s32 $0x0  }
0x6: {  	[smem:$0x7FF] =	sst s6;
	s8 =	sshrl.u32 s7, $0x3  }
0x7: {  	s10 =	simm.s32 $0x18700;
	_ =	strace $0x80000047;
	s9 =	sadd.s32 s2, s8  }
0x8: {  	[tilespmem:s10], [sflag:$0x1] =	stream.linear.gather [hbm4b:s9+s6], $0xFA0, $0x38;
	[tilespmem:$0x1E700] =	vst v63  }
0x9: {  	s30 =	simm.s32 $0x1A700;
	s29 =	sadd.s32 s3, s8  }
0xa: {  	[tilespmem:s30], [sflag:$0x1] =	stream.linear.gather [hbm4b:s29+s6], $0xFA0, $0x38;
	[tilespmem:$0x1E700] =	vst v63  }
0xb: {  	s31 =	simm.s32 $0x1C700;
	s12 =	simm.s32 $0x50;
	s8 =	sadd.s32 s4, s8  }
0xc: {  	v0 =	vimm.f32 $0.0e+00;
	[tilespmem:s31], [sflag:$0x1] =	stream.linear.gather [hbm4b:s8+s6], $0xFA0, $0x38;
	[tilespmem:$0x1E700] =	vst v63  }
0xd: {  	[tilespmem:s12+$0xFFFFFFC0] =	vst v0  }
0xe: {  	[tilespmem:s12+$0xFFFFFFD0] =	vst v0  }
0xf: {  	[tilespmem:s12+$0xFFFFFFE0] =	vst v0  }
0x10: {  	[tilespmem:s12+$0xFFFFFFF0] =	vst v0  }
0x11: {  	[tilespmem:s12+$0x0] =	vst v0  }
0x12: {  	[tilespmem:s12+$0x10] =	vst v0  }
0x13: {  	[tilespmem:s12+$0x20] =	vst v0  }
0x14: {  	s5 =	sadd.s32 $0xE00, s5;
	s9 =	sand.u32 $0x3FFE0, s6;
	s6 =	simm.s32 $0xA0;
	[tilespmem:s12+$0xFFFFFFB0] =	vst v0  }
.LBB2_1:
0x15: {  	p0 =	sne.s32 s6, $0x18600;
	[tilespmem:s9+$0x80] =	vst v0  }
0x16: {  	[tilespmem:s12+$0x40] =	vst v0;
	s12 =	sadd.s32 $0xA0, s12  }
0x17: {  	[tilespmem:s12+$0xFFFFFFC0] =	vst v0  }
0x18: {  	[tilespmem:s12+$0xFFFFFFD0] =	vst v0  }
0x19: {  	[tilespmem:s12+$0xFFFFFFE0] =	vst v0  }
.Ltmp0:
0x1a: {  	[tilespmem:s12+$0xFFFFFFF0] =	vst v0;
	(pc) =	sbr.rel @p0 .LBB2_1-.Ltmp0, $4  }
0x1b: {  	[tilespmem:s12+$0x0] =	vst v0  }
0x1c: {  	[tilespmem:s12+$0x10] =	vst v0  }
0x1d: {  	[tilespmem:s12+$0x20] =	vst v0  }
0x1e: {  	s9 =	sand.u32 $0x3FFE0, s6;
	s6 =	sadd.s32 $0xA0, s6;
	[tilespmem:s12+$0xFFFFFFB0] =	vst v0  }
0x1f: {  	s6 =	sadd.s32 $0xFA0, s7;
	s7 =	sadd.s32 $0x1F40, s7;
	s8 =	simm.s32 $0x0  }
0x20: {  	[tilespmem:s9+$0x80] =	vst v0;
	s9 =	simm.s32 $0x19700;
	s10 =	simm.s32 $0x1B700;
	s11 =	simm.s32 $0x1D700  }
0x21: {  	s13 =	simm.s32 $0x2;
	s14 =	simm.s32 $0x0;
	[tilespmem:s12+$0x40] =	vst v0;
	s12 =	simm.s32 $0x1  }
.LBB2_3:
0x22: {  	s15 =	smul.u32 $0x1F40, s14;
	_ =	sdelay $0x1  }
0x23: {  	s16 =	sadd.s32 s15, s6  }
0x24: {  	s16 =	sshrl.u32 s16, $0x3  }
0x25: {  	s17 =	sadd.s32 s2, s16  }
0x26: {  	[tilespmem:s9], [sflag:$0x2] =	stream.linear.gather [hbm4b:s17+s8], $0xFA0, $0x38;
	[tilespmem:$0x1E700] =	vst v63  }
0x27: {  	s31 =	sadd.s32 s3, s16  }
0x28: {  	[tilespmem:s10], [sflag:$0x2] =	stream.linear.gather [hbm4b:s31+s8], $0xFA0, $0x38;
	[tilespmem:$0x1E700] =	vst v63  }
0x29: {  	s16 =	sadd.s32 s4, s16  }
0x2a: {  	[tilespmem:s11], [sflag:$0x2] =	stream.linear.gather [hbm4b:s16+s8], $0xFA0, $0x38;
	[tilespmem:$0x1E700] =	vst v63  }
0x2b: {  	_ =	swait.ge [sflag:s12], $0xFA0  }
0x2c: {  	[sflag:s12] =	ssyncset.done $0x0  }
0x2d: {  	[sflag:s12] =	ssyncadd.s32 $0xFFFFF060  }
0x2e: {  	_ =	swait.ge [sflag:s12], $0xFA0  }
0x2f: {  	[sflag:s12] =	ssyncset.done $0x0  }
0x30: {  	[sflag:s12] =	ssyncadd.s32 $0xFFFFF060  }
0x31: {  	_ =	swait.ge [sflag:s12], $0xFA0  }
0x32: {  	s18 =	simm.s32 $0x1A7C0;
	s19 =	simm.s32 $0x0;
	[sflag:s12] =	ssyncset.done $0x0  }
0x33: {  	s17 =	simm.s32 $0x187C0;
	s16 =	simm.s32 $0x1C7C0;
	[sflag:s12] =	ssyncadd.s32 $0xFFFFF060  }
.LBB2_4:
0x34: {  	v0 =	vld [tilespmem:s16+$0xFFFFFF40]  }
0x35: {  	v1 =	vld [tilespmem:s17+$0xFFFFFF40]  }
0x36: {  	v2 =	vld [tilespmem:s18+$0xFFFFFF40];
	_ =	sdelay $0x4  }
0x37: {  	v1 =	vmul.f32 v2, v1;
	_ =	sdelay $0x1  }
0x38: {  	[tilespmem:v0+s8+$0x0] =	vst.idx.add.f32.msk $0xffff, v1  }
0x39: {  	v0 =	vld [tilespmem:s16+$0xFFFFFF50]  }
0x3a: {  	v1 =	vld [tilespmem:s17+$0xFFFFFF50]  }
0x3b: {  	v40 =	vld [tilespmem:s18+$0xFFFFFF50];
	_ =	sdelay $0x4  }
0x3c: {  	v1 =	vmul.f32 v40, v1;
	_ =	sdelay $0x1  }
0x3d: {  	[tilespmem:v0+s8+$0x0] =	vst.idx.add.f32.msk $0xffff, v1  }
0x3e: {  	v0 =	vld [tilespmem:s16+$0xFFFFFF60]  }
0x3f: {  	v1 =	vld [tilespmem:s17+$0xFFFFFF60]  }
0x40: {  	v41 =	vld [tilespmem:s18+$0xFFFFFF60];
	_ =	sdelay $0x4  }
0x41: {  	v1 =	vmul.f32 v41, v1;
	_ =	sdelay $0x1  }
0x42: {  	[tilespmem:v0+s8+$0x0] =	vst.idx.add.f32.msk $0xffff, v1  }
0x43: {  	v0 =	vld [tilespmem:s16+$0xFFFFFF70]  }
0x44: {  	v1 =	vld [tilespmem:s17+$0xFFFFFF70]  }
0x45: {  	v42 =	vld [tilespmem:s18+$0xFFFFFF70];
	_ =	sdelay $0x4  }
0x46: {  	v1 =	vmul.f32 v42, v1;
	_ =	sdelay $0x1  }
0x47: {  	[tilespmem:v0+s8+$0x0] =	vst.idx.add.f32.msk $0xffff, v1  }
0x48: {  	v0 =	vld [tilespmem:s16+$0xFFFFFF80]  }
0x49: {  	v1 =	vld [tilespmem:s17+$0xFFFFFF80]  }
0x4a: {  	v43 =	vld [tilespmem:s18+$0xFFFFFF80];
	_ =	sdelay $0x4  }
0x4b: {  	v1 =	vmul.f32 v43, v1;
	_ =	sdelay $0x1  }
0x4c: {  	[tilespmem:v0+s8+$0x0] =	vst.idx.add.f32.msk $0xffff, v1  }
0x4d: {  	v0 =	vld [tilespmem:s16+$0xFFFFFF90]  }
0x4e: {  	v1 =	vld [tilespmem:s17+$0xFFFFFF90]  }
0x4f: {  	v44 =	vld [tilespmem:s18+$0xFFFFFF90];
	_ =	sdelay $0x4  }
0x50: {  	v1 =	vmul.f32 v44, v1;
	_ =	sdelay $0x1  }
0x51: {  	[tilespmem:v0+s8+$0x0] =	vst.idx.add.f32.msk $0xffff, v1  }
0x52: {  	v0 =	vld [tilespmem:s16+$0xFFFFFFA0]  }
0x53: {  	v1 =	vld [tilespmem:s17+$0xFFFFFFA0]  }
0x54: {  	v45 =	vld [tilespmem:s18+$0xFFFFFFA0];
	_ =	sdelay $0x4  }
0x55: {  	v1 =	vmul.f32 v45, v1;
	_ =	sdelay $0x1  }
0x56: {  	[tilespmem:v0+s8+$0x0] =	vst.idx.add.f32.msk $0xffff, v1  }
0x57: {  	v0 =	vld [tilespmem:s16+$0xFFFFFFB0]  }
0x58: {  	v1 =	vld [tilespmem:s17+$0xFFFFFFB0]  }
0x59: {  	v46 =	vld [tilespmem:s18+$0xFFFFFFB0];
	_ =	sdelay $0x4  }
0x5a: {  	v1 =	vmul.f32 v46, v1;
	_ =	sdelay $0x1  }
0x5b: {  	s20 =	sand.u32 $0x1FF0, s19;
	[tilespmem:v0+s8+$0x0] =	vst.idx.add.f32.msk $0xffff, v1  }
0x5c: {  	v0 =	vld [tilespmem:s20+$0x1C780]  }
0x5d: {  	v1 =	vld [tilespmem:s20+$0x18780]  }
0x5e: {  	v47 =	vld [tilespmem:s20+$0x1A780];
	_ =	sdelay $0x4  }
0x5f: {  	v1 =	vmul.f32 v47, v1;
	_ =	sdelay $0x1  }
0x60: {  	[tilespmem:v0+s8+$0x0] =	vst.idx.add.f32.msk $0xffff, v1  }
0x61: {  	v0 =	vld [tilespmem:s16+$0xFFFFFFD0]  }
0x62: {  	v1 =	vld [tilespmem:s17+$0xFFFFFFD0]  }
0x63: {  	v48 =	vld [tilespmem:s18+$0xFFFFFFD0];
	_ =	sdelay $0x4  }
0x64: {  	v1 =	vmul.f32 v48, v1;
	_ =	sdelay $0x1  }
0x65: {  	[tilespmem:v0+s8+$0x0] =	vst.idx.add.f32.msk $0xffff, v1  }
0x66: {  	v0 =	vld [tilespmem:s16+$0xFFFFFFE0]  }
0x67: {  	v1 =	vld [tilespmem:s17+$0xFFFFFFE0]  }
0x68: {  	v49 =	vld [tilespmem:s18+$0xFFFFFFE0];
	_ =	sdelay $0x4  }
0x69: {  	v1 =	vmul.f32 v49, v1;
	_ =	sdelay $0x1  }
0x6a: {  	[tilespmem:v0+s8+$0x0] =	vst.idx.add.f32.msk $0xffff, v1  }
0x6b: {  	v0 =	vld [tilespmem:s16+$0xFFFFFFF0]  }
0x6c: {  	v1 =	vld [tilespmem:s17+$0xFFFFFFF0]  }
0x6d: {  	v50 =	vld [tilespmem:s18+$0xFFFFFFF0];
	_ =	sdelay $0x4  }
0x6e: {  	v1 =	vmul.f32 v50, v1;
	_ =	sdelay $0x1  }
0x6f: {  	[tilespmem:v0+s8+$0x0] =	vst.idx.add.f32.msk $0xffff, v1  }
0x70: {  	v0 =	vld [tilespmem:s16+$0x0]  }
0x71: {  	v1 =	vld [tilespmem:s17+$0x0]  }
0x72: {  	v51 =	vld [tilespmem:s18+$0x0];
	_ =	sdelay $0x4  }
0x73: {  	v1 =	vmul.f32 v51, v1;
	_ =	sdelay $0x1  }
0x74: {  	[tilespmem:v0+s8+$0x0] =	vst.idx.add.f32.msk $0xffff, v1  }
0x75: {  	v0 =	vld [tilespmem:s16+$0x10]  }
0x76: {  	v1 =	vld [tilespmem:s17+$0x10]  }
0x77: {  	v52 =	vld [tilespmem:s18+$0x10];
	_ =	sdelay $0x4  }
0x78: {  	v1 =	vmul.f32 v52, v1;
	_ =	sdelay $0x1  }
0x79: {  	[tilespmem:v0+s8+$0x0] =	vst.idx.add.f32.msk $0xffff, v1  }
0x7a: {  	v0 =	vld [tilespmem:s16+$0x20]  }
0x7b: {  	v1 =	vld [tilespmem:s17+$0x20]  }
0x7c: {  	v53 =	vld [tilespmem:s18+$0x20];
	_ =	sdelay $0x4  }
0x7d: {  	v1 =	vmul.f32 v53, v1;
	_ =	sdelay $0x1  }
0x7e: {  	[tilespmem:v0+s8+$0x0] =	vst.idx.add.f32.msk $0xffff, v1  }
0x7f: {  	v0 =	vld [tilespmem:s16+$0x30]  }
0x80: {  	v1 =	vld [tilespmem:s17+$0x30]  }
0x81: {  	v54 =	vld [tilespmem:s18+$0x30];
	_ =	sdelay $0x4  }
0x82: {  	v1 =	vmul.f32 v54, v1;
	_ =	sdelay $0x1  }
0x83: {  	[tilespmem:v0+s8+$0x0] =	vst.idx.add.f32.msk $0xffff, v1  }
0x84: {  	v0 =	vld [tilespmem:s20+$0x1C800]  }
0x85: {  	v1 =	vld [tilespmem:s20+$0x18800]  }
0x86: {  	v55 =	vld [tilespmem:s20+$0x1A800];
	_ =	sdelay $0x4  }
0x87: {  	v1 =	vmul.f32 v55, v1;
	_ =	sdelay $0x1  }
0x88: {  	[tilespmem:v0+s8+$0x0] =	vst.idx.add.f32.msk $0xffff, v1  }
0x89: {  	v0 =	vld [tilespmem:s16+$0x50]  }
0x8a: {  	v1 =	vld [tilespmem:s17+$0x50]  }
0x8b: {  	v56 =	vld [tilespmem:s18+$0x50];
	_ =	sdelay $0x4  }
0x8c: {  	v1 =	vmul.f32 v56, v1;
	_ =	sdelay $0x1  }
0x8d: {  	[tilespmem:v0+s8+$0x0] =	vst.idx.add.f32.msk $0xffff, v1  }
0x8e: {  	v0 =	vld [tilespmem:s16+$0x60]  }
0x8f: {  	v1 =	vld [tilespmem:s17+$0x60]  }
0x90: {  	v57 =	vld [tilespmem:s18+$0x60];
	_ =	sdelay $0x4  }
0x91: {  	v1 =	vmul.f32 v57, v1;
	_ =	sdelay $0x1  }
0x92: {  	[tilespmem:v0+s8+$0x0] =	vst.idx.add.f32.msk $0xffff, v1  }
0x93: {  	v0 =	vld [tilespmem:s16+$0x70]  }
0x94: {  	v1 =	vld [tilespmem:s17+$0x70]  }
0x95: {  	v58 =	vld [tilespmem:s18+$0x70];
	_ =	sdelay $0x4  }
0x96: {  	v1 =	vmul.f32 v58, v1;
	_ =	sdelay $0x1  }
0x97: {  	[tilespmem:v0+s8+$0x0] =	vst.idx.add.f32.msk $0xffff, v1  }
0x98: {  	v0 =	vld [tilespmem:s16+$0x80]  }
0x99: {  	v1 =	vld [tilespmem:s17+$0x80]  }
0x9a: {  	v59 =	vld [tilespmem:s18+$0x80];
	_ =	sdelay $0x4  }
0x9b: {  	v1 =	vmul.f32 v59, v1;
	_ =	sdelay $0x1  }
0x9c: {  	[tilespmem:v0+s8+$0x0] =	vst.idx.add.f32.msk $0xffff, v1  }
0x9d: {  	v0 =	vld [tilespmem:s16+$0x90]  }
0x9e: {  	v1 =	vld [tilespmem:s17+$0x90]  }
0x9f: {  	v60 =	vld [tilespmem:s18+$0x90];
	_ =	sdelay $0x4  }
0xa0: {  	v1 =	vmul.f32 v60, v1;
	_ =	sdelay $0x1  }
0xa1: {  	[tilespmem:v0+s8+$0x0] =	vst.idx.add.f32.msk $0xffff, v1  }
0xa2: {  	v0 =	vld [tilespmem:s16+$0xA0]  }
0xa3: {  	v1 =	vld [tilespmem:s17+$0xA0]  }
0xa4: {  	v61 =	vld [tilespmem:s18+$0xA0];
	_ =	sdelay $0x4  }
0xa5: {  	v1 =	vmul.f32 v61, v1;
	_ =	sdelay $0x1  }
0xa6: {  	[tilespmem:v0+s8+$0x0] =	vst.idx.add.f32.msk $0xffff, v1  }
0xa7: {  	v0 =	vld [tilespmem:s16+$0xB0]  }
0xa8: {  	v1 =	vld [tilespmem:s17+$0xB0]  }
0xa9: {  	v62 =	vld [tilespmem:s18+$0xB0];
	_ =	sdelay $0x4  }
0xaa: {  	v1 =	vmul.f32 v62, v1;
	_ =	sdelay $0x1  }
0xab: {  	[tilespmem:v0+s8+$0x0] =	vst.idx.add.f32.msk $0xffff, v1  }
0xac: {  	v0 =	vld [tilespmem:s20+$0x1C880]  }
0xad: {  	v1 =	vld [tilespmem:s20+$0x18880]  }
0xae: {  	v63 =	vld [tilespmem:s20+$0x1A880];
	_ =	sdelay $0x1  }
0xaf: {  	p0 =	sne.s32 s19, $0xE10  }
.Ltmp1:
0xb0: {  	_ = 	snop;
	(pc) =	sbr.rel @p0 .LBB2_4-.Ltmp1, $4  }
0xb1: {  	_ = 	snop  }
0xb2: {  	v1 =	vmul.f32 v63, v1  }
0xb3: {  	s19 =	sadd.s32 $0x190, s19  }
0xb4: {  	s16 =	sadd.s32 $0x190, s16;
	s17 =	sadd.s32 $0x190, s17;
	s18 =	sadd.s32 $0x190, s18;
	[tilespmem:v0+s8+$0x0] =	vst.idx.add.f32.msk $0xffff, v1  }
0xb5: {  	p0 =	seq.s32 s14, $0x18  }
0xb6: {  	s15 =	sadd.s32 @!p0 s15, s7  }
0xb7: {  	s15 =	sshrl.u32 @!p0 s15, $0x3  }
0xb8: {  	s17 =	simm.s32 @!p0 $0x0;
	s18 =	simm.s32 @!p0 $0x18700;
	s16 =	sadd.s32 @!p0 s2, s15  }
0xb9: {  	[tilespmem:s18], [sflag:$0x1] =	stream.linear.gather @!p0 [hbm4b:s16+s17], $0xFA0, $0x38;
	[tilespmem:$0x1E700] =	vst v63  }
0xba: {  	s16 =	sadd.s32 @!p0 s3, s15;
	s18 =	simm.s32 @!p0 $0x1A700  }
0xbb: {  	[tilespmem:s18], [sflag:$0x1] =	stream.linear.gather @!p0 [hbm4b:s16+s17], $0xFA0, $0x38;
	[tilespmem:$0x1E700] =	vst v63  }
0xbc: {  	s15 =	sadd.s32 @!p0 s4, s15;
	s16 =	simm.s32 @!p0 $0x1C700  }
0xbd: {  	[tilespmem:s16], [sflag:$0x1] =	stream.linear.gather @!p0 [hbm4b:s15+s17], $0xFA0, $0x38;
	[tilespmem:$0x1E700] =	vst v63  }
0xbe: {  	_ =	swait.ge [sflag:s13], $0xFA0  }
0xbf: {  	[sflag:s13] =	ssyncset.done $0x0  }
0xc0: {  	[sflag:s13] =	ssyncadd.s32 $0xFFFFF060  }
0xc1: {  	_ =	swait.ge [sflag:s13], $0xFA0  }
0xc2: {  	[sflag:s13] =	ssyncset.done $0x0  }
0xc3: {  	[sflag:s13] =	ssyncadd.s32 $0xFFFFF060  }
0xc4: {  	_ =	swait.ge [sflag:s13], $0xFA0  }
0xc5: {  	s18 =	simm.s32 $0x1B7C0;
	s15 =	simm.s32 $0x0;
	[sflag:s13] =	ssyncset.done $0x0  }
0xc6: {  	s16 =	simm.s32 $0x1D7C0;
	s17 =	simm.s32 $0x197C0;
	[sflag:s13] =	ssyncadd.s32 $0xFFFFF060  }
.LBB2_6:
0xc7: {  	v0 =	vld [tilespmem:s16+$0xFFFFFF40]  }
0xc8: {  	v1 =	vld [tilespmem:s17+$0xFFFFFF40]  }
0xc9: {  	v2 =	vld [tilespmem:s18+$0xFFFFFF40];
	_ =	sdelay $0x4  }
0xca: {  	v1 =	vmul.f32 v2, v1;
	_ =	sdelay $0x1  }
0xcb: {  	[tilespmem:v0+s8+$0x0] =	vst.idx.add.f32.msk $0xffff, v1  }
0xcc: {  	v0 =	vld [tilespmem:s16+$0xFFFFFF50]  }
0xcd: {  	v1 =	vld [tilespmem:s17+$0xFFFFFF50]  }
0xce: {  	v40 =	vld [tilespmem:s18+$0xFFFFFF50];
	_ =	sdelay $0x4  }
0xcf: {  	v1 =	vmul.f32 v40, v1;
	_ =	sdelay $0x1  }
0xd0: {  	[tilespmem:v0+s8+$0x0] =	vst.idx.add.f32.msk $0xffff, v1  }
0xd1: {  	v0 =	vld [tilespmem:s16+$0xFFFFFF60]  }
0xd2: {  	v1 =	vld [tilespmem:s17+$0xFFFFFF60]  }
0xd3: {  	v41 =	vld [tilespmem:s18+$0xFFFFFF60];
	_ =	sdelay $0x4  }
0xd4: {  	v1 =	vmul.f32 v41, v1;
	_ =	sdelay $0x1  }
0xd5: {  	[tilespmem:v0+s8+$0x0] =	vst.idx.add.f32.msk $0xffff, v1  }
0xd6: {  	v0 =	vld [tilespmem:s16+$0xFFFFFF70]  }
0xd7: {  	v1 =	vld [tilespmem:s17+$0xFFFFFF70]  }
0xd8: {  	v42 =	vld [tilespmem:s18+$0xFFFFFF70];
	_ =	sdelay $0x4  }
0xd9: {  	v1 =	vmul.f32 v42, v1;
	_ =	sdelay $0x1  }
0xda: {  	[tilespmem:v0+s8+$0x0] =	vst.idx.add.f32.msk $0xffff, v1  }
0xdb: {  	v0 =	vld [tilespmem:s16+$0xFFFFFF80]  }
0xdc: {  	v1 =	vld [tilespmem:s17+$0xFFFFFF80]  }
0xdd: {  	v43 =	vld [tilespmem:s18+$0xFFFFFF80];
	_ =	sdelay $0x4  }
0xde: {  	v1 =	vmul.f32 v43, v1;
	_ =	sdelay $0x1  }
0xdf: {  	[tilespmem:v0+s8+$0x0] =	vst.idx.add.f32.msk $0xffff, v1  }
0xe0: {  	v0 =	vld [tilespmem:s16+$0xFFFFFF90]  }
0xe1: {  	v1 =	vld [tilespmem:s17+$0xFFFFFF90]  }
0xe2: {  	v44 =	vld [tilespmem:s18+$0xFFFFFF90];
	_ =	sdelay $0x4  }
0xe3: {  	v1 =	vmul.f32 v44, v1;
	_ =	sdelay $0x1  }
0xe4: {  	[tilespmem:v0+s8+$0x0] =	vst.idx.add.f32.msk $0xffff, v1  }
0xe5: {  	v0 =	vld [tilespmem:s16+$0xFFFFFFA0]  }
0xe6: {  	v1 =	vld [tilespmem:s17+$0xFFFFFFA0]  }
0xe7: {  	v45 =	vld [tilespmem:s18+$0xFFFFFFA0];
	_ =	sdelay $0x4  }
0xe8: {  	v1 =	vmul.f32 v45, v1;
	_ =	sdelay $0x1  }
0xe9: {  	[tilespmem:v0+s8+$0x0] =	vst.idx.add.f32.msk $0xffff, v1  }
0xea: {  	v0 =	vld [tilespmem:s16+$0xFFFFFFB0]  }
0xeb: {  	v1 =	vld [tilespmem:s17+$0xFFFFFFB0]  }
0xec: {  	v46 =	vld [tilespmem:s18+$0xFFFFFFB0];
	_ =	sdelay $0x4  }
0xed: {  	v1 =	vmul.f32 v46, v1;
	_ =	sdelay $0x1  }
0xee: {  	s19 =	sand.u32 $0x1FF0, s15;
	[tilespmem:v0+s8+$0x0] =	vst.idx.add.f32.msk $0xffff, v1  }
0xef: {  	v0 =	vld [tilespmem:s19+$0x1D780]  }
0xf0: {  	v1 =	vld [tilespmem:s19+$0x19780]  }
0xf1: {  	v47 =	vld [tilespmem:s19+$0x1B780];
	_ =	sdelay $0x4  }
0xf2: {  	v1 =	vmul.f32 v47, v1;
	_ =	sdelay $0x1  }
0xf3: {  	[tilespmem:v0+s8+$0x0] =	vst.idx.add.f32.msk $0xffff, v1  }
0xf4: {  	v0 =	vld [tilespmem:s16+$0xFFFFFFD0]  }
0xf5: {  	v1 =	vld [tilespmem:s17+$0xFFFFFFD0]  }
0xf6: {  	v48 =	vld [tilespmem:s18+$0xFFFFFFD0];
	_ =	sdelay $0x4  }
0xf7: {  	v1 =	vmul.f32 v48, v1;
	_ =	sdelay $0x1  }
0xf8: {  	[tilespmem:v0+s8+$0x0] =	vst.idx.add.f32.msk $0xffff, v1  }
0xf9: {  	v0 =	vld [tilespmem:s16+$0xFFFFFFE0]  }
0xfa: {  	v1 =	vld [tilespmem:s17+$0xFFFFFFE0]  }
0xfb: {  	v49 =	vld [tilespmem:s18+$0xFFFFFFE0];
	_ =	sdelay $0x4  }
0xfc: {  	v1 =	vmul.f32 v49, v1;
	_ =	sdelay $0x1  }
0xfd: {  	[tilespmem:v0+s8+$0x0] =	vst.idx.add.f32.msk $0xffff, v1  }
0xfe: {  	v0 =	vld [tilespmem:s16+$0xFFFFFFF0]  }
0xff: {  	v1 =	vld [tilespmem:s17+$0xFFFFFFF0]  }
0x100: {  	v50 =	vld [tilespmem:s18+$0xFFFFFFF0];
	_ =	sdelay $0x4  }
0x101: {  	v1 =	vmul.f32 v50, v1;
	_ =	sdelay $0x1  }
0x102: {  	[tilespmem:v0+s8+$0x0] =	vst.idx.add.f32.msk $0xffff, v1  }
0x103: {  	v0 =	vld [tilespmem:s16+$0x0]  }
0x104: {  	v1 =	vld [tilespmem:s17+$0x0]  }
0x105: {  	v51 =	vld [tilespmem:s18+$0x0];
	_ =	sdelay $0x4  }
0x106: {  	v1 =	vmul.f32 v51, v1;
	_ =	sdelay $0x1  }
0x107: {  	[tilespmem:v0+s8+$0x0] =	vst.idx.add.f32.msk $0xffff, v1  }
0x108: {  	v0 =	vld [tilespmem:s16+$0x10]  }
0x109: {  	v1 =	vld [tilespmem:s17+$0x10]  }
0x10a: {  	v52 =	vld [tilespmem:s18+$0x10];
	_ =	sdelay $0x4  }
0x10b: {  	v1 =	vmul.f32 v52, v1;
	_ =	sdelay $0x1  }
0x10c: {  	[tilespmem:v0+s8+$0x0] =	vst.idx.add.f32.msk $0xffff, v1  }
0x10d: {  	v0 =	vld [tilespmem:s16+$0x20]  }
0x10e: {  	v1 =	vld [tilespmem:s17+$0x20]  }
0x10f: {  	v53 =	vld [tilespmem:s18+$0x20];
	_ =	sdelay $0x4  }
0x110: {  	v1 =	vmul.f32 v53, v1;
	_ =	sdelay $0x1  }
0x111: {  	[tilespmem:v0+s8+$0x0] =	vst.idx.add.f32.msk $0xffff, v1  }
0x112: {  	v0 =	vld [tilespmem:s16+$0x30]  }
0x113: {  	v1 =	vld [tilespmem:s17+$0x30]  }
0x114: {  	v54 =	vld [tilespmem:s18+$0x30];
	_ =	sdelay $0x4  }
0x115: {  	v1 =	vmul.f32 v54, v1;
	_ =	sdelay $0x1  }
0x116: {  	[tilespmem:v0+s8+$0x0] =	vst.idx.add.f32.msk $0xffff, v1  }
0x117: {  	v0 =	vld [tilespmem:s19+$0x1D800]  }
0x118: {  	v1 =	vld [tilespmem:s19+$0x19800]  }
0x119: {  	v55 =	vld [tilespmem:s19+$0x1B800];
	_ =	sdelay $0x4  }
0x11a: {  	v1 =	vmul.f32 v55, v1;
	_ =	sdelay $0x1  }
0x11b: {  	[tilespmem:v0+s8+$0x0] =	vst.idx.add.f32.msk $0xffff, v1  }
0x11c: {  	v0 =	vld [tilespmem:s16+$0x50]  }
0x11d: {  	v1 =	vld [tilespmem:s17+$0x50]  }
0x11e: {  	v56 =	vld [tilespmem:s18+$0x50];
	_ =	sdelay $0x4  }
0x11f: {  	v1 =	vmul.f32 v56, v1;
	_ =	sdelay $0x1  }
0x120: {  	[tilespmem:v0+s8+$0x0] =	vst.idx.add.f32.msk $0xffff, v1  }
0x121: {  	v0 =	vld [tilespmem:s16+$0x60]  }
0x122: {  	v1 =	vld [tilespmem:s17+$0x60]  }
0x123: {  	v57 =	vld [tilespmem:s18+$0x60];
	_ =	sdelay $0x4  }
0x124: {  	v1 =	vmul.f32 v57, v1;
	_ =	sdelay $0x1  }
0x125: {  	[tilespmem:v0+s8+$0x0] =	vst.idx.add.f32.msk $0xffff, v1  }
0x126: {  	v0 =	vld [tilespmem:s16+$0x70]  }
0x127: {  	v1 =	vld [tilespmem:s17+$0x70]  }
0x128: {  	v58 =	vld [tilespmem:s18+$0x70];
	_ =	sdelay $0x4  }
0x129: {  	v1 =	vmul.f32 v58, v1;
	_ =	sdelay $0x1  }
0x12a: {  	[tilespmem:v0+s8+$0x0] =	vst.idx.add.f32.msk $0xffff, v1  }
0x12b: {  	v0 =	vld [tilespmem:s16+$0x80]  }
0x12c: {  	v1 =	vld [tilespmem:s17+$0x80]  }
0x12d: {  	v59 =	vld [tilespmem:s18+$0x80];
	_ =	sdelay $0x4  }
0x12e: {  	v1 =	vmul.f32 v59, v1;
	_ =	sdelay $0x1  }
0x12f: {  	[tilespmem:v0+s8+$0x0] =	vst.idx.add.f32.msk $0xffff, v1  }
0x130: {  	v0 =	vld [tilespmem:s16+$0x90]  }
0x131: {  	v1 =	vld [tilespmem:s17+$0x90]  }
0x132: {  	v60 =	vld [tilespmem:s18+$0x90];
	_ =	sdelay $0x4  }
0x133: {  	v1 =	vmul.f32 v60, v1;
	_ =	sdelay $0x1  }
0x134: {  	[tilespmem:v0+s8+$0x0] =	vst.idx.add.f32.msk $0xffff, v1  }
0x135: {  	v0 =	vld [tilespmem:s16+$0xA0]  }
0x136: {  	v1 =	vld [tilespmem:s17+$0xA0]  }
0x137: {  	v61 =	vld [tilespmem:s18+$0xA0];
	_ =	sdelay $0x4  }
0x138: {  	v1 =	vmul.f32 v61, v1;
	_ =	sdelay $0x1  }
0x139: {  	[tilespmem:v0+s8+$0x0] =	vst.idx.add.f32.msk $0xffff, v1  }
0x13a: {  	v0 =	vld [tilespmem:s16+$0xB0]  }
0x13b: {  	v1 =	vld [tilespmem:s17+$0xB0]  }
0x13c: {  	v62 =	vld [tilespmem:s18+$0xB0];
	_ =	sdelay $0x4  }
0x13d: {  	v1 =	vmul.f32 v62, v1;
	_ =	sdelay $0x1  }
0x13e: {  	[tilespmem:v0+s8+$0x0] =	vst.idx.add.f32.msk $0xffff, v1  }
0x13f: {  	v0 =	vld [tilespmem:s19+$0x1D880]  }
0x140: {  	v1 =	vld [tilespmem:s19+$0x19880]  }
0x141: {  	v63 =	vld [tilespmem:s19+$0x1B880];
	_ =	sdelay $0x1  }
0x142: {  	p0 =	sne.s32 s15, $0xE10  }
.Ltmp2:
0x143: {  	_ = 	snop;
	(pc) =	sbr.rel @p0 .LBB2_6-.Ltmp2, $4  }
0x144: {  	_ = 	snop  }
0x145: {  	v1 =	vmul.f32 v63, v1  }
0x146: {  	s15 =	sadd.s32 $0x190, s15  }
0x147: {  	s16 =	sadd.s32 $0x190, s16;
	s17 =	sadd.s32 $0x190, s17;
	s18 =	sadd.s32 $0x190, s18;
	[tilespmem:v0+s8+$0x0] =	vst.idx.add.f32.msk $0xffff, v1  }
0x148: {  	s14 =	sadd.s32 $0x1, s14  }
0x149: {  	p0 =	sne.s32 s14, $0x19  }
.Ltmp3:
0x14a: {  	_ = 	snop;
	(pc) =	sbr.rel @p0 .LBB2_3-.Ltmp3, $1  }
0x14b: {  	_ =	sdelay $0x3  }
0x14c: {  	s2 =	sshrl.u32 s0, $0x3  }
0x14d: {  	s3 =	sshll.u32 s0, $0x7;
	s2 =	smul.u32 $0xC3800, s2  }
0x14e: {  	s3 =	sand.u32 $0x380, s3  }
0x14f: {  	s2 =	sor.u32 s3, s2  }
0x150: {  	s29 =	simm.s32 $0x80;
	s4 =	simm.s32 $0x400;
	s2 =	sshrl.u32 s2, $0x3  }
0x151: {  	s30 =	simm.s32 $0x0;
	s31 =	simm.s32 $0x3;
	s2 =	sadd.s32 s5, s2  }
0x152: {  	[hbm4b:s2+s29] =	stream.strided.scatter [tilespmem:s30], [sflag:$0x3], $0x18700, s4, s29, $0x38;
	[tilespmem:$0x1E700] =	vst v63  }
0x153: {  	_ =	swait.ge [sflag:s31], $0x18700  }
0x154: {  	[sflag:s31] =	ssyncset.done $0x0  }
0x155: {  	[sflag:s31] =	ssyncadd.s32 $0xFFFE7900  }
0x156: {  	_ =	sfence.sel $0x180000  }
0x157: {  	[bflag:$0x0] =	sbarrier.arrive $0xFFFF  }
0x158: {  	p0 =	sne.s32 s0, $0x0;
	_ =	strace $0x90000047  }
0x159: {  	s0 =	sadd.s32 @!p0 $0x100000, s1;
	[bflag:$0x2] =	sbarrier.arrive $0xFFFF  }
0x15a: {  	[sflag:s0] =	ssyncadd.tile.s32 @!p0 $0x1;
	_ =	shalt  }
.Lfunc_end2:
_tile_overlayer_lowered:
.L_overlay_start_2:
0x15b: {  	(tag) =	ssettag $0x2  }
0x15c: {  	s0 =	rddreg [dreg:$0x0];
	s2 =	stileid.u32  }
0x15d: {  	s1 =	rddreg [dreg:$0x1];
	p0 =	sne.s32 s2, $0x0  }
0x15e: {  	s3 =	rddreg [dreg:$0x2];
	[bflag:$0x3] =	sbarrier.arrive $0xFFFF;
	s2 =	simm.s32 @!p0 $0x1C03  }
0x15f: {  	[timem:s3], [sflag:s2] =	dma.local @!p0 [hbm:s0], s1  }
0x160: {  	s0 =	simm.s32 @!p0 $0x3  }
0x161: {  	_ =	swait.ge @!p0 [sflag:s0], s1  }
0x162: {  	s1 =	ssub.s32 @!p0 $0x0, s1;
	[sflag:s0] =	ssyncset.done @!p0 $0x0  }
0x163: {  	[sflag:s0] =	ssyncadd.s32 @!p0 s1  }
0x164: {  	[bflag:$0x3] =	sbarrier.arrive $0xFFFF  }
0x165: {  	_ =	shalt  }

</sc_bundles>
